<compile_context>
chip_gen: v7x
topology: tpu7x:2x2x1
jax: 0.10.2.dev20260603
libtpu: 0.0.44.dev20260713+nightly
codegen_flags: <defaults>
</compile_context>

<pallas_src>
import dataclasses
import functools

import jax
import jax.numpy as jnp
from jax.experimental import pallas as pl
from jax.experimental.pallas import tpu as pltpu
from jax.experimental.pallas import tpu_sc as plsc

_C = 768
_H = 128
_W = 128
_P = 30

_NC = 2
_NS = 16
_NW = _NC * _NS
_B = _P * _C
_BW = _B // _NW
_L = 16


def _tc_topk_kernel(hm_ref, scores_ref, code_ref):
    h = hm_ref[0, 0]

    zrow = jnp.zeros((1, _W), jnp.float32)
    rows = h
    rows = rows + jnp.concatenate([h[1:, :], zrow], axis=0)
    rows = rows + jnp.concatenate([zrow, h[:-1, :]], axis=0)
    zcol = jnp.zeros((_H, 1), jnp.float32)
    ssum = rows
    ssum = ssum + jnp.concatenate([rows[:, 1:], zcol], axis=1)
    ssum = ssum + jnp.concatenate([zcol, rows[:, :-1]], axis=1)
    c2 = (h + ssum / 9.0) * 0.5

    ninf = jnp.float32(-jnp.inf)
    nrow = jnp.full((1, _W), ninf, jnp.float32)
    rmax = c2
    rmax = jnp.maximum(rmax, jnp.concatenate([c2[1:, :], nrow], axis=0))
    rmax = jnp.maximum(rmax, jnp.concatenate([nrow, c2[:-1, :]], axis=0))
    ncol = jnp.full((_H, 1), ninf, jnp.float32)
    mx = rmax
    mx = jnp.maximum(mx, jnp.concatenate([rmax[:, 1:], ncol], axis=1))
    mx = jnp.maximum(mx, jnp.concatenate([ncol, rmax[:, :-1]], axis=1))
    s = jnp.where(mx == c2, c2, jnp.float32(0.0))

    flat = (jax.lax.broadcasted_iota(jnp.int32, (_H, _W), 0) * _W
            + jax.lax.broadcasted_iota(jnp.int32, (_H, _W), 1))
    lane32 = jax.lax.broadcasted_iota(jnp.int32, (1, 32), 1)
    sub32 = jax.lax.broadcasted_iota(jnp.int32, (32, 1), 0)
    big = jnp.int32(1 << 30)

    svec = jnp.zeros((1, 32), jnp.float32)
    posf = jnp.zeros((32, 1), jnp.int32)
    for i in range(_P):
        m_b = jnp.max(s, axis=(0, 1), keepdims=True)
        idx_b = jnp.min(jnp.where(s == m_b, flat, big),
                        axis=(0, 1), keepdims=True)
        s = jnp.where(flat == idx_b, ninf, s)
        svec = jnp.where(lane32 == i, m_b, svec)
        posf = jnp.where(sub32 == i, idx_b, posf)
    scores_ref[:] = svec

    c_iota = jax.lax.broadcasted_iota(jnp.int32, (32, _C), 1)
    code = posf + c_iota * (_H * _W)
    code_ref[:, :] = code[:_P, :]


def _sc_gather(table, codes):
    mesh = plsc.VectorSubcoreMesh(core_axis_name="c", subcore_axis_name="s")
    cp = pltpu.CompilerParams()
    if "needs_layout_passes" in pltpu.CompilerParams.__dataclass_fields__:
        cp = dataclasses.replace(cp, needs_layout_passes=False)

    @functools.partial(
        pl.kernel, mesh=mesh, compiler_params=cp,
        out_type=jax.ShapeDtypeStruct((_B,), jnp.float32),
        scratch_types=[
            pltpu.VMEM((_BW,), jnp.int32),
            pltpu.VMEM((_BW,), jnp.int32),
            pltpu.VMEM((_BW, _W), jnp.float32),
            pltpu.VMEM((_BW,), jnp.float32),
            pltpu.SemaphoreType.DMA,
        ],
    )
    def k(table_hbm, code_hbm, out_hbm, code_v, row_v, rows_v, out_v, sem):
        wid = jax.lax.axis_index("s") * _NC + jax.lax.axis_index("c")
        base = wid * _BW
        pltpu.sync_copy(code_hbm.at[pl.ds(base, _BW)], code_v)
        lane = jax.lax.iota(jnp.int32, _L)

        @pl.loop(0, _BW // _L)
        def _(g):
            r0 = g * _L
            c16 = code_v.at[pl.ds(r0, _L)][...]
            row_v.at[pl.ds(r0, _L)][...] = c16 // _W

        pltpu.async_copy(table_hbm.at[row_v], rows_v, sem).wait()

        @pl.loop(0, _BW // _L)
        def _(g):
            r0 = g * _L
            idx0 = r0 + lane
            idx1 = code_v.at[pl.ds(r0, _L)][...] % _W
            out_v.at[pl.ds(r0, _L)][...] = plsc.load_gather(
                rows_v, [idx0, idx1])

        pltpu.sync_copy(out_v, out_hbm.at[pl.ds(base, _BW)])

    return k(table, codes)


def kernel(features, pred_multi_heatmap):
    hm = pred_multi_heatmap[:, -1:]
    scores32, code = pl.pallas_call(
        _tc_topk_kernel,
        in_specs=[pl.BlockSpec(memory_space=pltpu.MemorySpace.VMEM)],
        out_specs=[
            pl.BlockSpec(memory_space=pltpu.MemorySpace.VMEM),
            pl.BlockSpec(memory_space=pltpu.MemorySpace.VMEM),
        ],
        out_shape=[
            jax.ShapeDtypeStruct((1, 32), jnp.float32),
            jax.ShapeDtypeStruct((_P, _C), jnp.int32),
        ],
    )(hm)
    table = features.reshape(_C * _H, _W)
    flat = _sc_gather(table, code.reshape(_B))
    return scores32[0, :_P], flat.reshape(_P, _C)

# --- scband reference (transcript-rebuilt; emitter-appended) ---
"""Pipeline reference for scband-param-sampler-77678778515631 (READ-ONLY COPY).

The authoritative reference and input builder live on the scoring server;
editing this copy changes nothing except your own understanding.
"""

import jax, jax.numpy as jnp
import numpy as np

C = 768
H = 128
W = 128
K = 18
MAX_PROPOSALS = 30
CENTER_POOL_KERNEL = 3
POOL_THRE1 = 300.0
POOL_THRE2 = 200.0


def _avg_pool2d(x, k):
    pad = (k - 1) // 2
    s = jax.lax.reduce_window(x, 0.0, jax.lax.add, (1, k, k), (1, 1, 1),
                              [(0, 0), (pad, pad), (pad, pad)])
    return s / float(k * k)


def _max_pool2d(x, k):
    pad = (k - 1) // 2
    return jax.lax.reduce_window(x, -float('inf'), jax.lax.max, (1, k, k), (1, 1, 1),
                                 [(0, 0), (pad, pad), (pad, pad)])


def _hierarchical_pool(hm):
    map_size = (hm.shape[1] + hm.shape[2]) / 2.0
    if map_size > POOL_THRE1:
        k = 7
    elif map_size > POOL_THRE2:
        k = 5
    else:
        k = 3
    return _max_pool2d(hm, k)


def setup_inputs(seed: int = 0) -> dict:
    key = jax.random.key(seed)
    k1, k2 = jax.random.split(key)
    features = jax.random.normal(k1, (1, C, H, W), dtype=jnp.float32)
    pred_multi_heatmap = jax.random.uniform(k2, (1, K, H, W), dtype=jnp.float32)
    return {"features": features, "pred_multi_heatmap": pred_multi_heatmap}


def reference(features, pred_multi_heatmap):
    # eval branch of ParamSampler.forward with flip_test=False
    center_heatmap = pred_multi_heatmap[:, -1, :, :]  # [1, H, W]
    center_pool = _avg_pool2d(center_heatmap, CENTER_POOL_KERNEL)
    center_heatmap = (center_heatmap + center_pool) / 2.0
    maxm = _hierarchical_pool(center_heatmap)
    maxm = jnp.equal(maxm, center_heatmap).astype(center_heatmap.dtype)
    center_heatmap = center_heatmap * maxm
    scores = center_heatmap.reshape(-1)
    scores, pos_ind = jax.lax.top_k(scores, MAX_PROPOSALS)
    Wd = center_heatmap.shape[-1]
    x = pos_ind % Wd
    y = pos_ind // Wd
    # _sample_feats: gather feature vectors at proposal coords (embedding-lookup style)
    instance_param = features[0][:, y, x].transpose()  # [MAX_PROPOSALS, C]
    return scores, instance_param

if __name__ == "__main__":
    import jax
    _d = setup_inputs()
    print(jax.jit(kernel)(*tuple(_d.values())))

</pallas_src>

<mosaic_0001>
#map = affine_map<(d0, d1) -> (0, 0)>
#map1 = affine_map<(d0, d1) -> (0)>
module attributes {stable_mosaic.version = 14 : i64} {
  func.func @k(%arg0: i32, %arg1: i32, %arg2: memref<98304x128xf32, #tpu.memory_space<hbm>>, %arg3: memref<23040xi32, #tpu.memory_space<hbm>>, %arg4: memref<23040xf32, #tpu.memory_space<hbm>>, %arg5: memref<720xi32, #tpu.memory_space<vmem>>, %arg6: memref<720xi32, #tpu.memory_space<vmem>>, %arg7: memref<720x128xf32, #tpu.memory_space<vmem>>, %arg8: memref<720xf32, #tpu.memory_space<vmem>>, %arg9: memref<!tpu.dma_semaphore, #tpu.memory_space<semaphore_mem>>) attributes {dimension_semantics = [#tpu.dimension_semantics<core_parallel>, #tpu.dimension_semantics<subcore_parallel>], iteration_bounds = array<i64: 2, 16>, scalar_prefetch = 0 : i64, scratch_operands = 5 : i64, tpu.core_type = #tpu.core_type<sc_vector_subcore>, window_params = [{transform_indices = #map}, {transform_indices = #map1}, {transform_indices = #map1}]} {
    %mul3A = arith.constant 2 : i32
    %mul3A_0 = arith.muli %arg1, %mul3A : i32
    %add3A = arith.addi %mul3A_0, %arg0 : i32
    %mul3A_1 = arith.constant 720 : i32
    %mul3A_2 = arith.muli %add3A, %mul3A_1 : i32
    "tpu.region"() ({
      %run_scoped3A = tpu.sem_alloc : memref<!tpu.dma_semaphore, #tpu.memory_space<semaphore_mem>>
      %dma_start3A_16 = tpu.memref_slice %arg3[%mul3A_2] : memref<23040xi32, #tpu.memory_space<hbm>> -> memref<720xi32, #tpu.memory_space<hbm>>
      %dma_start3A_17 = tpu.memref_slice %arg3[%mul3A_2] : memref<23040xi32, #tpu.memory_space<hbm>> -> memref<720xi32, #tpu.memory_space<hbm>>
      tpu.enqueue_dma source(%dma_start3A_17 : memref<720xi32, #tpu.memory_space<hbm>>) target(%arg5 : memref<720xi32, #tpu.memory_space<vmem>>) target_semaphore(%run_scoped3A : memref<!tpu.dma_semaphore, #tpu.memory_space<semaphore_mem>>)
      %dma_wait3A_18 = tpu.memref_slice %arg3[%mul3A_2] : memref<23040xi32, #tpu.memory_space<hbm>> -> memref<720xi32, #tpu.memory_space<hbm>>
      %dma_wait3A_19 = tpu.memref_slice %arg3[%mul3A_2] : memref<23040xi32, #tpu.memory_space<hbm>> -> memref<720xi32, #tpu.memory_space<hbm>>
      tpu.wait_dma2 semaphore(%run_scoped3A : memref<!tpu.dma_semaphore, #tpu.memory_space<semaphore_mem>>) src(%dma_wait3A_19 : memref<720xi32, #tpu.memory_space<hbm>>) dst(%arg5 : memref<720xi32, #tpu.memory_space<vmem>>)
      tpu.yield
    }) : () -> ()
    %iota3A = tpu.iota {dimensions = array<i32: 0>} : vector<16xi32>
    %scan3A = arith.constant 0 : i32
    %scan3A_3 = arith.constant 45 : i32
    %scan3A_4 = arith.addi %scan3A, %scan3A_3 : i32
    %scan3A_5 = arith.constant 1 : i32
    scf.for %scan3A_16 = %scan3A to %scan3A_4 step %scan3A_5  : i32 {
      %mul3A_17 = arith.constant 1 : i32
      %mul3A_18 = arith.muli %scan3A_16, %mul3A_17 : i32
      %add3A_19 = arith.constant 0 : i32
      %add3A_20 = arith.addi %add3A_19, %mul3A_18 : i32
      %mul3A_21 = arith.constant 16 : i32
      %mul3A_22 = arith.muli %add3A_20, %mul3A_21 : i32
      %get3A = arith.index_cast %mul3A_22 : i32 to index
      %get3A_23 = tpu.vector_load %arg5[%get3A] {strides = array<i32>} : memref<720xi32, #tpu.memory_space<vmem>>, vector<16xi32>,
      %jit3A = arith.constant 128 : i32
      %div3A = vector.broadcast %jit3A : i32 to vector<16xi32>
      %div3A_24 = arith.divsi %get3A_23, %div3A : vector<16xi32>
      %sign3A = arith.constant 0 : i32
      %sign3A_25 = vector.broadcast %sign3A : i32 to vector<16xi32>
      %sign3A_26 = arith.cmpi sgt, %get3A_23, %sign3A_25 : vector<16xi32>
      %sign3A_27 = arith.extui %sign3A_26 : vector<16xi1> to vector<16xi32>
      %sign3A_28 = arith.constant 0 : i32
      %sign3A_29 = vector.broadcast %sign3A_28 : i32 to vector<16xi32>
      %sign3A_30 = arith.cmpi slt, %get3A_23, %sign3A_29 : vector<16xi32>
      %sign3A_31 = arith.extui %sign3A_30 : vector<16xi1> to vector<16xi32>
      %sign3A_32 = arith.subi %sign3A_27, %sign3A_31 : vector<16xi32>
      %sign3A_33 = arith.constant 0 : i32
      %sign3A_34 = arith.cmpi sgt, %jit3A, %sign3A_33 : i32
      %sign3A_35 = arith.extui %sign3A_34 : i1 to i32
      %sign3A_36 = arith.constant 0 : i32
      %sign3A_37 = arith.cmpi slt, %jit3A, %sign3A_36 : i32
      %sign3A_38 = arith.extui %sign3A_37 : i1 to i32
      %sign3A_39 = arith.subi %sign3A_35, %sign3A_38 : i32
      %ne3A = vector.broadcast %sign3A_39 : i32 to vector<16xi32>
      %ne3A_40 = arith.cmpi ne, %sign3A_32, %ne3A : vector<16xi32>
      %rem3A = vector.broadcast %jit3A : i32 to vector<16xi32>
      %rem3A_41 = arith.remsi %get3A_23, %rem3A : vector<16xi32>
      %ne3A_42 = arith.constant 0 : i32
      %ne3A_43 = vector.broadcast %ne3A_42 : i32 to vector<16xi32>
      %ne3A_44 = arith.cmpi ne, %rem3A_41, %ne3A_43 : vector<16xi32>
      %and3A = arith.andi %ne3A_40, %ne3A_44 : vector<16xi1>
      %sub3A = arith.constant 1 : i32
      %sub3A_45 = vector.broadcast %sub3A : i32 to vector<16xi32>
      %sub3A_46 = arith.subi %div3A_24, %sub3A_45 : vector<16xi32>
      %select_n3A = arith.select %and3A, %sub3A_46, %div3A_24 : vector<16xi1>, vector<16xi32>
      %swap3A = arith.index_cast %mul3A_22 : i32 to index
      %swap3A_47 = tpu.vector_load %arg6[%swap3A] {strides = array<i32>} : memref<720xi32, #tpu.memory_space<vmem>>, vector<16xi32>,
      tpu.vector_store %arg6[%swap3A], %select_n3A {strides = array<i32>} : memref<720xi32, #tpu.memory_space<vmem>>, vector<16xi32>,
    }
    %scan3A_6 = arith.constant 45 : i32
    %dma_start3A = arith.constant 0 : i32
    %dma_start3A_7 = arith.constant 0 : i32
    %dma_start3A_8 = tpu.memref_slice %arg2[%dma_start3A, %dma_start3A_7] : memref<98304x128xf32, #tpu.memory_space<hbm>> -> memref<98304x128xf32, #tpu.memory_space<hbm>>
    tpu.enqueue_indirect_dma source(%dma_start3A_8 : memref<98304x128xf32, #tpu.memory_space<hbm>>) target(%arg7 : memref<720x128xf32, #tpu.memory_space<vmem>>) offsets(%arg6 : memref<720xi32, #tpu.memory_space<vmem>>) semaphore(%arg9 : memref<!tpu.dma_semaphore, #tpu.memory_space<semaphore_mem>>)
    %dma_wait3A = arith.constant 0 : i32
    %dma_wait3A_9 = arith.constant 0 : i32
    %dma_wait3A_10 = tpu.memref_slice %arg2[%dma_wait3A, %dma_wait3A_9] : memref<98304x128xf32, #tpu.memory_space<hbm>> -> memref<98304x128xf32, #tpu.memory_space<hbm>>
    tpu.wait_indirect_dma semaphore(%arg9 : memref<!tpu.dma_semaphore, #tpu.memory_space<semaphore_mem>>) src(%dma_wait3A_10 : memref<98304x128xf32, #tpu.memory_space<hbm>>) dst(%arg7 : memref<720x128xf32, #tpu.memory_space<vmem>>)
    %scan3A_11 = arith.constant 0 : i32
    %scan3A_12 = arith.constant 45 : i32
    %scan3A_13 = arith.addi %scan3A_11, %scan3A_12 : i32
    %scan3A_14 = arith.constant 1 : i32
    scf.for %scan3A_16 = %scan3A_11 to %scan3A_13 step %scan3A_14  : i32 {
      %mul3A_17 = arith.constant 1 : i32
      %mul3A_18 = arith.muli %scan3A_16, %mul3A_17 : i32
      %add3A_19 = arith.constant 0 : i32
      %add3A_20 = arith.addi %add3A_19, %mul3A_18 : i32
      %mul3A_21 = arith.constant 16 : i32
      %mul3A_22 = arith.muli %add3A_20, %mul3A_21 : i32
      %add3A_23 = vector.broadcast %mul3A_22 : i32 to vector<16xi32>
      %add3A_24 = arith.addi %add3A_23, %iota3A : vector<16xi32>
      %get3A = arith.index_cast %mul3A_22 : i32 to index
      %get3A_25 = tpu.vector_load %arg5[%get3A] {strides = array<i32>} : memref<720xi32, #tpu.memory_space<vmem>>, vector<16xi32>,
      %jit3A = arith.constant 128 : i32
      %eq3A = arith.constant 0 : i32
      %eq3A_26 = arith.cmpi eq, %jit3A, %eq3A : i32
      %jit3A_27 = arith.constant 1 : i32
      %select_n3A = arith.select %eq3A_26, %jit3A_27, %jit3A : i32
      %rem3A = vector.broadcast %select_n3A : i32 to vector<16xi32>
      %rem3A_28 = arith.remsi %get3A_25, %rem3A : vector<16xi32>
      %ne3A = arith.constant 0 : i32
      %ne3A_29 = vector.broadcast %ne3A : i32 to vector<16xi32>
      %ne3A_30 = arith.cmpi ne, %rem3A_28, %ne3A_29 : vector<16xi32>
      %lt3A = arith.constant 0 : i32
      %lt3A_31 = vector.broadcast %lt3A : i32 to vector<16xi32>
      %lt3A_32 = arith.cmpi slt, %rem3A_28, %lt3A_31 : vector<16xi32>
      %lt3A_33 = arith.constant 0 : i32
      %lt3A_34 = arith.cmpi slt, %select_n3A, %lt3A_33 : i32
      %ne3A_35 = vector.broadcast %lt3A_34 : i1 to vector<16xi1>
      %ne3A_36 = vector.broadcast %ne3A_35 : vector<16xi1> to vector<16xi1>
      %ne3A_37 = arith.xori %lt3A_32, %ne3A_36 : vector<16xi1>
      %and3A = arith.andi %ne3A_37, %ne3A_30 : vector<16xi1>
      %add3A_38 = vector.broadcast %select_n3A : i32 to vector<16xi32>
      %add3A_39 = arith.addi %rem3A_28, %add3A_38 : vector<16xi32>
      %select_n3A_40 = arith.select %and3A, %add3A_39, %rem3A_28 : vector<16xi1>, vector<16xi32>
      %gather3A = tpu.vector_load_idx %arg7[%add3A_24, %select_n3A_40] : memref<720x128xf32, #tpu.memory_space<vmem>>[vector<16xi32>, vector<16xi32>], vector<16xf32>,
      %swap3A = arith.index_cast %mul3A_22 : i32 to index
      %swap3A_41 = tpu.vector_load %arg8[%swap3A] {strides = array<i32>} : memref<720xf32, #tpu.memory_space<vmem>>, vector<16xf32>,
      tpu.vector_store %arg8[%swap3A], %gather3A {strides = array<i32>} : memref<720xf32, #tpu.memory_space<vmem>>, vector<16xf32>,
    }
    %scan3A_15 = arith.constant 45 : i32
    "tpu.region"() ({
      %run_scoped3A = tpu.sem_alloc : memref<!tpu.dma_semaphore, #tpu.memory_space<semaphore_mem>>
      %dma_start3A_16 = tpu.memref_slice %arg4[%mul3A_2] : memref<23040xf32, #tpu.memory_space<hbm>> -> memref<720xf32, #tpu.memory_space<hbm>>
      %dma_start3A_17 = tpu.memref_slice %arg4[%mul3A_2] : memref<23040xf32, #tpu.memory_space<hbm>> -> memref<720xf32, #tpu.memory_space<hbm>>
      tpu.enqueue_dma source(%arg8 : memref<720xf32, #tpu.memory_space<vmem>>) target(%dma_start3A_17 : memref<720xf32, #tpu.memory_space<hbm>>) target_semaphore(%run_scoped3A : memref<!tpu.dma_semaphore, #tpu.memory_space<semaphore_mem>>)
      %dma_wait3A_18 = tpu.memref_slice %arg4[%mul3A_2] : memref<23040xf32, #tpu.memory_space<hbm>> -> memref<720xf32, #tpu.memory_space<hbm>>
      %dma_wait3A_19 = tpu.memref_slice %arg4[%mul3A_2] : memref<23040xf32, #tpu.memory_space<hbm>> -> memref<720xf32, #tpu.memory_space<hbm>>
      tpu.wait_dma2 semaphore(%run_scoped3A : memref<!tpu.dma_semaphore, #tpu.memory_space<semaphore_mem>>) src(%arg8 : memref<720xf32, #tpu.memory_space<vmem>>) dst(%dma_wait3A_19 : memref<720xf32, #tpu.memory_space<hbm>>)
      tpu.yield
    }) : () -> ()
    return
  }
}

module attributes {stable_mosaic.version = 14 : i64} {
  func.func @_tc_topk_kernel(%arg0: memref<1x1x128x128xf32, #tpu.memory_space<vmem>>, %arg1: memref<1x32xf32, #tpu.memory_space<vmem>>, %arg2: memref<30x768xi32, #tpu.memory_space<vmem>>) attributes {dimension_semantics = [], scalar_prefetch = 0 : i64, scratch_operands = 0 : i64, tpu.core_type = #tpu.core_type<tc>} {
    %get3A = arith.constant 0 : index
    %get3A_0 = arith.constant 0 : index
    %get3A_1 = arith.constant 0 : index
    %get3A_2 = arith.constant 0 : index
    %get3A_3 = vector.load %arg0[%get3A, %get3A_0, %get3A_1, %get3A_2] : memref<1x1x128x128xf32, #tpu.memory_space<vmem>>, vector<1x1x128x128xf32>
    %get3A_4 = vector.shape_cast %get3A_3 : vector<1x1x128x128xf32> to vector<128x128xf32>
    %broadcast_in_dim3A = arith.constant 0.000000e+00 : f32
    %broadcast_in_dim3A_5 = vector.broadcast %broadcast_in_dim3A : f32 to vector<1x128xf32>
    %slice3A = vector.extract_strided_slice %get3A_4 {offsets = [1, 0], sizes = [127, 128], strides = [1, 1]} : vector<128x128xf32> to vector<127x128xf32>
    %concatenate3A = tpu.concatenate %slice3A, %broadcast_in_dim3A_5 in 0 : vector<127x128xf32>, vector<1x128xf32> -> vector<128x128xf32>
    %add3A = arith.addf %get3A_4, %concatenate3A : vector<128x128xf32>
    %slice3A_6 = vector.extract_strided_slice %get3A_4 {offsets = [0, 0], sizes = [127, 128], strides = [1, 1]} : vector<128x128xf32> to vector<127x128xf32>
    %concatenate3A_7 = tpu.concatenate %broadcast_in_dim3A_5, %slice3A_6 in 0 : vector<1x128xf32>, vector<127x128xf32> -> vector<128x128xf32>
    %add3A_8 = arith.addf %add3A, %concatenate3A_7 : vector<128x128xf32>
    %broadcast_in_dim3A_9 = arith.constant 0.000000e+00 : f32
    %broadcast_in_dim3A_10 = vector.broadcast %broadcast_in_dim3A_9 : f32 to vector<128x1xf32>
    %slice3A_11 = vector.extract_strided_slice %add3A_8 {offsets = [0, 1], sizes = [128, 127], strides = [1, 1]} : vector<128x128xf32> to vector<128x127xf32>
    %concatenate3A_12 = tpu.concatenate %slice3A_11, %broadcast_in_dim3A_10 in 1 : vector<128x127xf32>, vector<128x1xf32> -> vector<128x128xf32>
    %add3A_13 = arith.addf %add3A_8, %concatenate3A_12 : vector<128x128xf32>
    %slice3A_14 = vector.extract_strided_slice %add3A_8 {offsets = [0, 0], sizes = [128, 127], strides = [1, 1]} : vector<128x128xf32> to vector<128x127xf32>
    %concatenate3A_15 = tpu.concatenate %broadcast_in_dim3A_10, %slice3A_14 in 1 : vector<128x1xf32>, vector<128x127xf32> -> vector<128x128xf32>
    %add3A_16 = arith.addf %add3A_13, %concatenate3A_15 : vector<128x128xf32>
    %div3A = arith.constant 9.000000e+00 : f32
    %div3A_17 = vector.broadcast %div3A : f32 to vector<128x128xf32>
    %div3A_18 = arith.divf %add3A_16, %div3A_17 : vector<128x128xf32>
    %add3A_19 = arith.addf %get3A_4, %div3A_18 : vector<128x128xf32>
    %mul3A = arith.constant 5.000000e-01 : f32
    %mul3A_20 = vector.broadcast %mul3A : f32 to vector<128x128xf32>
    %mul3A_21 = arith.mulf %add3A_19, %mul3A_20 : vector<128x128xf32>
    %broadcast_in_dim3A_22 = arith.constant 0xFF800000 : f32
    %broadcast_in_dim3A_23 = vector.broadcast %broadcast_in_dim3A_22 : f32 to vector<1x128xf32>
    %slice3A_24 = vector.extract_strided_slice %mul3A_21 {offsets = [1, 0], sizes = [127, 128], strides = [1, 1]} : vector<128x128xf32> to vector<127x128xf32>
    %concatenate3A_25 = tpu.concatenate %slice3A_24, %broadcast_in_dim3A_23 in 0 : vector<127x128xf32>, vector<1x128xf32> -> vector<128x128xf32>
    %max3A = arith.maximumf %mul3A_21, %concatenate3A_25 : vector<128x128xf32>
    %slice3A_26 = vector.extract_strided_slice %mul3A_21 {offsets = [0, 0], sizes = [127, 128], strides = [1, 1]} : vector<128x128xf32> to vector<127x128xf32>
    %concatenate3A_27 = tpu.concatenate %broadcast_in_dim3A_23, %slice3A_26 in 0 : vector<1x128xf32>, vector<127x128xf32> -> vector<128x128xf32>
    %max3A_28 = arith.maximumf %max3A, %concatenate3A_27 : vector<128x128xf32>
    %broadcast_in_dim3A_29 = arith.constant 0xFF800000 : f32
    %broadcast_in_dim3A_30 = vector.broadcast %broadcast_in_dim3A_29 : f32 to vector<128x1xf32>
    %slice3A_31 = vector.extract_strided_slice %max3A_28 {offsets = [0, 1], sizes = [128, 127], strides = [1, 1]} : vector<128x128xf32> to vector<128x127xf32>
    %concatenate3A_32 = tpu.concatenate %slice3A_31, %broadcast_in_dim3A_30 in 1 : vector<128x127xf32>, vector<128x1xf32> -> vector<128x128xf32>
    %max3A_33 = arith.maximumf %max3A_28, %concatenate3A_32 : vector<128x128xf32>
    %slice3A_34 = vector.extract_strided_slice %max3A_28 {offsets = [0, 0], sizes = [128, 127], strides = [1, 1]} : vector<128x128xf32> to vector<128x127xf32>
    %concatenate3A_35 = tpu.concatenate %broadcast_in_dim3A_30, %slice3A_34 in 1 : vector<128x1xf32>, vector<128x127xf32> -> vector<128x128xf32>
    %max3A_36 = arith.maximumf %max3A_33, %concatenate3A_35 : vector<128x128xf32>
    %eq3A = arith.cmpf oeq, %max3A_36, %mul3A_21 : vector<128x128xf32>
    %jit3A = arith.constant 0.000000e+00 : f32
    %broadcast_in_dim3A_37 = vector.broadcast %jit3A : f32 to vector<128x128xf32>
    %select_n3A = arith.select %eq3A, %mul3A_21, %broadcast_in_dim3A_37 : vector<128x128xi1>, vector<128x128xf32>
    %iota3A = tpu.iota {dimensions = array<i32: 0>} : vector<128x128xi32>
    %mul3A_38 = arith.constant 128 : i32
    %mul3A_39 = vector.broadcast %mul3A_38 : i32 to vector<128x128xi32>
    %mul3A_40 = arith.muli %iota3A, %mul3A_39 : vector<128x128xi32>
    %iota3A_41 = tpu.iota {dimensions = array<i32: 1>} : vector<128x128xi32>
    %add3A_42 = arith.addi %mul3A_40, %iota3A_41 : vector<128x128xi32>
    %iota3A_43 = tpu.iota {dimensions = array<i32: 1>} : vector<1x32xi32>
    %iota3A_44 = tpu.iota {dimensions = array<i32: 0>} : vector<32x1xi32>
    %broadcast_in_dim3A_45 = arith.constant 0.000000e+00 : f32
    %broadcast_in_dim3A_46 = vector.broadcast %broadcast_in_dim3A_45 : f32 to vector<1x32xf32>
    %broadcast_in_dim3A_47 = arith.constant 0 : i32
    %broadcast_in_dim3A_48 = vector.broadcast %broadcast_in_dim3A_47 : i32 to vector<32x1xi32>
    %reduce_max3A = vector.shape_cast %select_n3A : vector<128x128xf32> to vector<1x128x128xf32>
    %reduce_max3A_49 = arith.constant dense<0xFF800000> : vector<1xf32>
    %reduce_max3A_50 = vector.multi_reduction <maximumf>, %reduce_max3A, %reduce_max3A_49 [1, 2] : vector<1x128x128xf32> to vector<1xf32>
    %reduce_max3A_51 = vector.shape_cast %reduce_max3A_50 : vector<1xf32> to vector<1x1x1xf32>
    %reduce_max3A_52 = vector.extract %reduce_max3A_51[0, 0, 0] : f32 from vector<1x1x1xf32>
    %broadcast_in_dim3A_53 = vector.broadcast %reduce_max3A_52 : f32 to vector<1x1xf32>
    %eq3A_54 = vector.broadcast %broadcast_in_dim3A_53 : vector<1x1xf32> to vector<128x128xf32>
    %eq3A_55 = arith.cmpf oeq, %select_n3A, %eq3A_54 : vector<128x128xf32>
    %jit3A_56 = arith.constant 1073741824 : i32
    %broadcast_in_dim3A_57 = vector.broadcast %jit3A_56 : i32 to vector<128x128xi32>
    %select_n3A_58 = arith.select %eq3A_55, %add3A_42, %broadcast_in_dim3A_57 : vector<128x128xi1>, vector<128x128xi32>
    %reduce_min3A = vector.shape_cast %select_n3A_58 : vector<128x128xi32> to vector<1x128x128xi32>
    %reduce_min3A_59 = arith.constant dense<2147483647> : vector<1xi32>
    %reduce_min3A_60 = vector.multi_reduction <minsi>, %reduce_min3A, %reduce_min3A_59 [1, 2] : vector<1x128x128xi32> to vector<1xi32>
    %reduce_min3A_61 = vector.shape_cast %reduce_min3A_60 : vector<1xi32> to vector<1x1x1xi32>
    %reduce_min3A_62 = vector.extract %reduce_min3A_61[0, 0, 0] : i32 from vector<1x1x1xi32>
    %broadcast_in_dim3A_63 = vector.broadcast %reduce_min3A_62 : i32 to vector<1x1xi32>
    %eq3A_64 = vector.broadcast %broadcast_in_dim3A_63 : vector<1x1xi32> to vector<128x128xi32>
    %eq3A_65 = arith.cmpi eq, %add3A_42, %eq3A_64 : vector<128x128xi32>
    %jit3A_66 = arith.constant 0xFF800000 : f32
    %broadcast_in_dim3A_67 = vector.broadcast %jit3A_66 : f32 to vector<128x128xf32>
    %select_n3A_68 = arith.select %eq3A_65, %broadcast_in_dim3A_67, %select_n3A : vector<128x128xi1>, vector<128x128xf32>
    %eq3A_69 = arith.constant 0 : i32
    %eq3A_70 = vector.broadcast %eq3A_69 : i32 to vector<1x32xi32>
    %eq3A_71 = arith.cmpi eq, %iota3A_43, %eq3A_70 : vector<1x32xi32>
    %broadcast_in_dim3A_72 = vector.shape_cast %broadcast_in_dim3A_53 : vector<1x1xf32> to vector<1x1xf32>
    %broadcast_in_dim3A_73 = vector.broadcast %broadcast_in_dim3A_72 : vector<1x1xf32> to vector<1x32xf32>
    %select_n3A_74 = arith.select %eq3A_71, %broadcast_in_dim3A_73, %broadcast_in_dim3A_46 : vector<1x32xi1>, vector<1x32xf32>
    %eq3A_75 = arith.constant 0 : i32
    %eq3A_76 = vector.broadcast %eq3A_75 : i32 to vector<32x1xi32>
    %eq3A_77 = arith.cmpi eq, %iota3A_44, %eq3A_76 : vector<32x1xi32>
    %broadcast_in_dim3A_78 = vector.shape_cast %broadcast_in_dim3A_63 : vector<1x1xi32> to vector<1x1xi32>
    %broadcast_in_dim3A_79 = vector.broadcast %broadcast_in_dim3A_78 : vector<1x1xi32> to vector<32x1xi32>
    %select_n3A_80 = arith.select %eq3A_77, %broadcast_in_dim3A_79, %broadcast_in_dim3A_48 : vector<32x1xi1>, vector<32x1xi32>
    %reduce_max3A_81 = vector.shape_cast %select_n3A_68 : vector<128x128xf32> to vector<1x128x128xf32>
    %reduce_max3A_82 = arith.constant dense<0xFF800000> : vector<1xf32>
    %reduce_max3A_83 = vector.multi_reduction <maximumf>, %reduce_max3A_81, %reduce_max3A_82 [1, 2] : vector<1x128x128xf32> to vector<1xf32>
    %reduce_max3A_84 = vector.shape_cast %reduce_max3A_83 : vector<1xf32> to vector<1x1x1xf32>
    %reduce_max3A_85 = vector.extract %reduce_max3A_84[0, 0, 0] : f32 from vector<1x1x1xf32>
    %broadcast_in_dim3A_86 = vector.broadcast %reduce_max3A_85 : f32 to vector<1x1xf32>
    %eq3A_87 = vector.broadcast %broadcast_in_dim3A_86 : vector<1x1xf32> to vector<128x128xf32>
    %eq3A_88 = arith.cmpf oeq, %select_n3A_68, %eq3A_87 : vector<128x128xf32>
    %jit3A_89 = arith.constant 1073741824 : i32
    %broadcast_in_dim3A_90 = vector.broadcast %jit3A_89 : i32 to vector<128x128xi32>
    %select_n3A_91 = arith.select %eq3A_88, %add3A_42, %broadcast_in_dim3A_90 : vector<128x128xi1>, vector<128x128xi32>
    %reduce_min3A_92 = vector.shape_cast %select_n3A_91 : vector<128x128xi32> to vector<1x128x128xi32>
    %reduce_min3A_93 = arith.constant dense<2147483647> : vector<1xi32>
    %reduce_min3A_94 = vector.multi_reduction <minsi>, %reduce_min3A_92, %reduce_min3A_93 [1, 2] : vector<1x128x128xi32> to vector<1xi32>
    %reduce_min3A_95 = vector.shape_cast %reduce_min3A_94 : vector<1xi32> to vector<1x1x1xi32>
    %reduce_min3A_96 = vector.extract %reduce_min3A_95[0, 0, 0] : i32 from vector<1x1x1xi32>
    %broadcast_in_dim3A_97 = vector.broadcast %reduce_min3A_96 : i32 to vector<1x1xi32>
    %eq3A_98 = vector.broadcast %broadcast_in_dim3A_97 : vector<1x1xi32> to vector<128x128xi32>
    %eq3A_99 = arith.cmpi eq, %add3A_42, %eq3A_98 : vector<128x128xi32>
    %jit3A_100 = arith.constant 0xFF800000 : f32
    %broadcast_in_dim3A_101 = vector.broadcast %jit3A_100 : f32 to vector<128x128xf32>
    %select_n3A_102 = arith.select %eq3A_99, %broadcast_in_dim3A_101, %select_n3A_68 : vector<128x128xi1>, vector<128x128xf32>
    %eq3A_103 = arith.constant 1 : i32
    %eq3A_104 = vector.broadcast %eq3A_103 : i32 to vector<1x32xi32>
    %eq3A_105 = arith.cmpi eq, %iota3A_43, %eq3A_104 : vector<1x32xi32>
    %broadcast_in_dim3A_106 = vector.shape_cast %broadcast_in_dim3A_86 : vector<1x1xf32> to vector<1x1xf32>
    %broadcast_in_dim3A_107 = vector.broadcast %broadcast_in_dim3A_106 : vector<1x1xf32> to vector<1x32xf32>
    %select_n3A_108 = arith.select %eq3A_105, %broadcast_in_dim3A_107, %select_n3A_74 : vector<1x32xi1>, vector<1x32xf32>
    %eq3A_109 = arith.constant 1 : i32
    %eq3A_110 = vector.broadcast %eq3A_109 : i32 to vector<32x1xi32>
    %eq3A_111 = arith.cmpi eq, %iota3A_44, %eq3A_110 : vector<32x1xi32>
    %broadcast_in_dim3A_112 = vector.shape_cast %broadcast_in_dim3A_97 : vector<1x1xi32> to vector<1x1xi32>
    %broadcast_in_dim3A_113 = vector.broadcast %broadcast_in_dim3A_112 : vector<1x1xi32> to vector<32x1xi32>
    %select_n3A_114 = arith.select %eq3A_111, %broadcast_in_dim3A_113, %select_n3A_80 : vector<32x1xi1>, vector<32x1xi32>
    %reduce_max3A_115 = vector.shape_cast %select_n3A_102 : vector<128x128xf32> to vector<1x128x128xf32>
    %reduce_max3A_116 = arith.constant dense<0xFF800000> : vector<1xf32>
    %reduce_max3A_117 = vector.multi_reduction <maximumf>, %reduce_max3A_115, %reduce_max3A_116 [1, 2] : vector<1x128x128xf32> to vector<1xf32>
    %reduce_max3A_118 = vector.shape_cast %reduce_max3A_117 : vector<1xf32> to vector<1x1x1xf32>
    %reduce_max3A_119 = vector.extract %reduce_max3A_118[0, 0, 0] : f32 from vector<1x1x1xf32>
    %broadcast_in_dim3A_120 = vector.broadcast %reduce_max3A_119 : f32 to vector<1x1xf32>
    %eq3A_121 = vector.broadcast %broadcast_in_dim3A_120 : vector<1x1xf32> to vector<128x128xf32>
    %eq3A_122 = arith.cmpf oeq, %select_n3A_102, %eq3A_121 : vector<128x128xf32>
    %jit3A_123 = arith.constant 1073741824 : i32
    %broadcast_in_dim3A_124 = vector.broadcast %jit3A_123 : i32 to vector<128x128xi32>
    %select_n3A_125 = arith.select %eq3A_122, %add3A_42, %broadcast_in_dim3A_124 : vector<128x128xi1>, vector<128x128xi32>
    %reduce_min3A_126 = vector.shape_cast %select_n3A_125 : vector<128x128xi32> to vector<1x128x128xi32>
    %reduce_min3A_127 = arith.constant dense<2147483647> : vector<1xi32>
    %reduce_min3A_128 = vector.multi_reduction <minsi>, %reduce_min3A_126, %reduce_min3A_127 [1, 2] : vector<1x128x128xi32> to vector<1xi32>
    %reduce_min3A_129 = vector.shape_cast %reduce_min3A_128 : vector<1xi32> to vector<1x1x1xi32>
    %reduce_min3A_130 = vector.extract %reduce_min3A_129[0, 0, 0] : i32 from vector<1x1x1xi32>
    %broadcast_in_dim3A_131 = vector.broadcast %reduce_min3A_130 : i32 to vector<1x1xi32>
    %eq3A_132 = vector.broadcast %broadcast_in_dim3A_131 : vector<1x1xi32> to vector<128x128xi32>
    %eq3A_133 = arith.cmpi eq, %add3A_42, %eq3A_132 : vector<128x128xi32>
    %jit3A_134 = arith.constant 0xFF800000 : f32
    %broadcast_in_dim3A_135 = vector.broadcast %jit3A_134 : f32 to vector<128x128xf32>
    %select_n3A_136 = arith.select %eq3A_133, %broadcast_in_dim3A_135, %select_n3A_102 : vector<128x128xi1>, vector<128x128xf32>
    %eq3A_137 = arith.constant 2 : i32
    %eq3A_138 = vector.broadcast %eq3A_137 : i32 to vector<1x32xi32>
    %eq3A_139 = arith.cmpi eq, %iota3A_43, %eq3A_138 : vector<1x32xi32>
    %broadcast_in_dim3A_140 = vector.shape_cast %broadcast_in_dim3A_120 : vector<1x1xf32> to vector<1x1xf32>
    %broadcast_in_dim3A_141 = vector.broadcast %broadcast_in_dim3A_140 : vector<1x1xf32> to vector<1x32xf32>
    %select_n3A_142 = arith.select %eq3A_139, %broadcast_in_dim3A_141, %select_n3A_108 : vector<1x32xi1>, vector<1x32xf32>
    %eq3A_143 = arith.constant 2 : i32
    %eq3A_144 = vector.broadcast %eq3A_143 : i32 to vector<32x1xi32>
    %eq3A_145 = arith.cmpi eq, %iota3A_44, %eq3A_144 : vector<32x1xi32>
    %broadcast_in_dim3A_146 = vector.shape_cast %broadcast_in_dim3A_131 : vector<1x1xi32> to vector<1x1xi32>
    %broadcast_in_dim3A_147 = vector.broadcast %broadcast_in_dim3A_146 : vector<1x1xi32> to vector<32x1xi32>
    %select_n3A_148 = arith.select %eq3A_145, %broadcast_in_dim3A_147, %select_n3A_114 : vector<32x1xi1>, vector<32x1xi32>
    %reduce_max3A_149 = vector.shape_cast %select_n3A_136 : vector<128x128xf32> to vector<1x128x128xf32>
    %reduce_max3A_150 = arith.constant dense<0xFF800000> : vector<1xf32>
    %reduce_max3A_151 = vector.multi_reduction <maximumf>, %reduce_max3A_149, %reduce_max3A_150 [1, 2] : vector<1x128x128xf32> to vector<1xf32>
    %reduce_max3A_152 = vector.shape_cast %reduce_max3A_151 : vector<1xf32> to vector<1x1x1xf32>
    %reduce_max3A_153 = vector.extract %reduce_max3A_152[0, 0, 0] : f32 from vector<1x1x1xf32>
    %broadcast_in_dim3A_154 = vector.broadcast %reduce_max3A_153 : f32 to vector<1x1xf32>
    %eq3A_155 = vector.broadcast %broadcast_in_dim3A_154 : vector<1x1xf32> to vector<128x128xf32>
    %eq3A_156 = arith.cmpf oeq, %select_n3A_136, %eq3A_155 : vector<128x128xf32>
    %jit3A_157 = arith.constant 1073741824 : i32
    %broadcast_in_dim3A_158 = vector.broadcast %jit3A_157 : i32 to vector<128x128xi32>
    %select_n3A_159 = arith.select %eq3A_156, %add3A_42, %broadcast_in_dim3A_158 : vector<128x128xi1>, vector<128x128xi32>
    %reduce_min3A_160 = vector.shape_cast %select_n3A_159 : vector<128x128xi32> to vector<1x128x128xi32>
    %reduce_min3A_161 = arith.constant dense<2147483647> : vector<1xi32>
    %reduce_min3A_162 = vector.multi_reduction <minsi>, %reduce_min3A_160, %reduce_min3A_161 [1, 2] : vector<1x128x128xi32> to vector<1xi32>
    %reduce_min3A_163 = vector.shape_cast %reduce_min3A_162 : vector<1xi32> to vector<1x1x1xi32>
    %reduce_min3A_164 = vector.extract %reduce_min3A_163[0, 0, 0] : i32 from vector<1x1x1xi32>
    %broadcast_in_dim3A_165 = vector.broadcast %reduce_min3A_164 : i32 to vector<1x1xi32>
    %eq3A_166 = vector.broadcast %broadcast_in_dim3A_165 : vector<1x1xi32> to vector<128x128xi32>
    %eq3A_167 = arith.cmpi eq, %add3A_42, %eq3A_166 : vector<128x128xi32>
    %jit3A_168 = arith.constant 0xFF800000 : f32
    %broadcast_in_dim3A_169 = vector.broadcast %jit3A_168 : f32 to vector<128x128xf32>
    %select_n3A_170 = arith.select %eq3A_167, %broadcast_in_dim3A_169, %select_n3A_136 : vector<128x128xi1>, vector<128x128xf32>
    %eq3A_171 = arith.constant 3 : i32
    %eq3A_172 = vector.broadcast %eq3A_171 : i32 to vector<1x32xi32>
    %eq3A_173 = arith.cmpi eq, %iota3A_43, %eq3A_172 : vector<1x32xi32>
    %broadcast_in_dim3A_174 = vector.shape_cast %broadcast_in_dim3A_154 : vector<1x1xf32> to vector<1x1xf32>
    %broadcast_in_dim3A_175 = vector.broadcast %broadcast_in_dim3A_174 : vector<1x1xf32> to vector<1x32xf32>
    %select_n3A_176 = arith.select %eq3A_173, %broadcast_in_dim3A_175, %select_n3A_142 : vector<1x32xi1>, vector<1x32xf32>
    %eq3A_177 = arith.constant 3 : i32
    %eq3A_178 = vector.broadcast %eq3A_177 : i32 to vector<32x1xi32>
    %eq3A_179 = arith.cmpi eq, %iota3A_44, %eq3A_178 : vector<32x1xi32>
    %broadcast_in_dim3A_180 = vector.shape_cast %broadcast_in_dim3A_165 : vector<1x1xi32> to vector<1x1xi32>
    %broadcast_in_dim3A_181 = vector.broadcast %broadcast_in_dim3A_180 : vector<1x1xi32> to vector<32x1xi32>
    %select_n3A_182 = arith.select %eq3A_179, %broadcast_in_dim3A_181, %select_n3A_148 : vector<32x1xi1>, vector<32x1xi32>
    %reduce_max3A_183 = vector.shape_cast %select_n3A_170 : vector<128x128xf32> to vector<1x128x128xf32>
    %reduce_max3A_184 = arith.constant dense<0xFF800000> : vector<1xf32>
    %reduce_max3A_185 = vector.multi_reduction <maximumf>, %reduce_max3A_183, %reduce_max3A_184 [1, 2] : vector<1x128x128xf32> to vector<1xf32>
    %reduce_max3A_186 = vector.shape_cast %reduce_max3A_185 : vector<1xf32> to vector<1x1x1xf32>
    %reduce_max3A_187 = vector.extract %reduce_max3A_186[0, 0, 0] : f32 from vector<1x1x1xf32>
    %broadcast_in_dim3A_188 = vector.broadcast %reduce_max3A_187 : f32 to vector<1x1xf32>
    %eq3A_189 = vector.broadcast %broadcast_in_dim3A_188 : vector<1x1xf32> to vector<128x128xf32>
    %eq3A_190 = arith.cmpf oeq, %select_n3A_170, %eq3A_189 : vector<128x128xf32>
    %jit3A_191 = arith.constant 1073741824 : i32
    %broadcast_in_dim3A_192 = vector.broadcast %jit3A_191 : i32 to vector<128x128xi32>
    %select_n3A_193 = arith.select %eq3A_190, %add3A_42, %broadcast_in_dim3A_192 : vector<128x128xi1>, vector<128x128xi32>
    %reduce_min3A_194 = vector.shape_cast %select_n3A_193 : vector<128x128xi32> to vector<1x128x128xi32>
    %reduce_min3A_195 = arith.constant dense<2147483647> : vector<1xi32>
    %reduce_min3A_196 = vector.multi_reduction <minsi>, %reduce_min3A_194, %reduce_min3A_195 [1, 2] : vector<1x128x128xi32> to vector<1xi32>
    %reduce_min3A_197 = vector.shape_cast %reduce_min3A_196 : vector<1xi32> to vector<1x1x1xi32>
    %reduce_min3A_198 = vector.extract %reduce_min3A_197[0, 0, 0] : i32 from vector<1x1x1xi32>
    %broadcast_in_dim3A_199 = vector.broadcast %reduce_min3A_198 : i32 to vector<1x1xi32>
    %eq3A_200 = vector.broadcast %broadcast_in_dim3A_199 : vector<1x1xi32> to vector<128x128xi32>
    %eq3A_201 = arith.cmpi eq, %add3A_42, %eq3A_200 : vector<128x128xi32>
    %jit3A_202 = arith.constant 0xFF800000 : f32
    %broadcast_in_dim3A_203 = vector.broadcast %jit3A_202 : f32 to vector<128x128xf32>
    %select_n3A_204 = arith.select %eq3A_201, %broadcast_in_dim3A_203, %select_n3A_170 : vector<128x128xi1>, vector<128x128xf32>
    %eq3A_205 = arith.constant 4 : i32
    %eq3A_206 = vector.broadcast %eq3A_205 : i32 to vector<1x32xi32>
    %eq3A_207 = arith.cmpi eq, %iota3A_43, %eq3A_206 : vector<1x32xi32>
    %broadcast_in_dim3A_208 = vector.shape_cast %broadcast_in_dim3A_188 : vector<1x1xf32> to vector<1x1xf32>
    %broadcast_in_dim3A_209 = vector.broadcast %broadcast_in_dim3A_208 : vector<1x1xf32> to vector<1x32xf32>
    %select_n3A_210 = arith.select %eq3A_207, %broadcast_in_dim3A_209, %select_n3A_176 : vector<1x32xi1>, vector<1x32xf32>
    %eq3A_211 = arith.constant 4 : i32
    %eq3A_212 = vector.broadcast %eq3A_211 : i32 to vector<32x1xi32>
    %eq3A_213 = arith.cmpi eq, %iota3A_44, %eq3A_212 : vector<32x1xi32>
    %broadcast_in_dim3A_214 = vector.shape_cast %broadcast_in_dim3A_199 : vector<1x1xi32> to vector<1x1xi32>
    %broadcast_in_dim3A_215 = vector.broadcast %broadcast_in_dim3A_214 : vector<1x1xi32> to vector<32x1xi32>
    %select_n3A_216 = arith.select %eq3A_213, %broadcast_in_dim3A_215, %select_n3A_182 : vector<32x1xi1>, vector<32x1xi32>
    %reduce_max3A_217 = vector.shape_cast %select_n3A_204 : vector<128x128xf32> to vector<1x128x128xf32>
    %reduce_max3A_218 = arith.constant dense<0xFF800000> : vector<1xf32>
    %reduce_max3A_219 = vector.multi_reduction <maximumf>, %reduce_max3A_217, %reduce_max3A_218 [1, 2] : vector<1x128x128xf32> to vector<1xf32>
    %reduce_max3A_220 = vector.shape_cast %reduce_max3A_219 : vector<1xf32> to vector<1x1x1xf32>
    %reduce_max3A_221 = vector.extract %reduce_max3A_220[0, 0, 0] : f32 from vector<1x1x1xf32>
    %broadcast_in_dim3A_222 = vector.broadcast %reduce_max3A_221 : f32 to vector<1x1xf32>
    %eq3A_223 = vector.broadcast %broadcast_in_dim3A_222 : vector<1x1xf32> to vector<128x128xf32>
    %eq3A_224 = arith.cmpf oeq, %select_n3A_204, %eq3A_223 : vector<128x128xf32>
    %jit3A_225 = arith.constant 1073741824 : i32
    %broadcast_in_dim3A_226 = vector.broadcast %jit3A_225 : i32 to vector<128x128xi32>
    %select_n3A_227 = arith.select %eq3A_224, %add3A_42, %broadcast_in_dim3A_226 : vector<128x128xi1>, vector<128x128xi32>
    %reduce_min3A_228 = vector.shape_cast %select_n3A_227 : vector<128x128xi32> to vector<1x128x128xi32>
    %reduce_min3A_229 = arith.constant dense<2147483647> : vector<1xi32>
    %reduce_min3A_230 = vector.multi_reduction <minsi>, %reduce_min3A_228, %reduce_min3A_229 [1, 2] : vector<1x128x128xi32> to vector<1xi32>
    %reduce_min3A_231 = vector.shape_cast %reduce_min3A_230 : vector<1xi32> to vector<1x1x1xi32>
    %reduce_min3A_232 = vector.extract %reduce_min3A_231[0, 0, 0] : i32 from vector<1x1x1xi32>
    %broadcast_in_dim3A_233 = vector.broadcast %reduce_min3A_232 : i32 to vector<1x1xi32>
    %eq3A_234 = vector.broadcast %broadcast_in_dim3A_233 : vector<1x1xi32> to vector<128x128xi32>
    %eq3A_235 = arith.cmpi eq, %add3A_42, %eq3A_234 : vector<128x128xi32>
    %jit3A_236 = arith.constant 0xFF800000 : f32
    %broadcast_in_dim3A_237 = vector.broadcast %jit3A_236 : f32 to vector<128x128xf32>
    %select_n3A_238 = arith.select %eq3A_235, %broadcast_in_dim3A_237, %select_n3A_204 : vector<128x128xi1>, vector<128x128xf32>
    %eq3A_239 = arith.constant 5 : i32
    %eq3A_240 = vector.broadcast %eq3A_239 : i32 to vector<1x32xi32>
    %eq3A_241 = arith.cmpi eq, %iota3A_43, %eq3A_240 : vector<1x32xi32>
    %broadcast_in_dim3A_242 = vector.shape_cast %broadcast_in_dim3A_222 : vector<1x1xf32> to vector<1x1xf32>
    %broadcast_in_dim3A_243 = vector.broadcast %broadcast_in_dim3A_242 : vector<1x1xf32> to vector<1x32xf32>
    %select_n3A_244 = arith.select %eq3A_241, %broadcast_in_dim3A_243, %select_n3A_210 : vector<1x32xi1>, vector<1x32xf32>
    %eq3A_245 = arith.constant 5 : i32
    %eq3A_246 = vector.broadcast %eq3A_245 : i32 to vector<32x1xi32>
    %eq3A_247 = arith.cmpi eq, %iota3A_44, %eq3A_246 : vector<32x1xi32>
    %broadcast_in_dim3A_248 = vector.shape_cast %broadcast_in_dim3A_233 : vector<1x1xi32> to vector<1x1xi32>
    %broadcast_in_dim3A_249 = vector.broadcast %broadcast_in_dim3A_248 : vector<1x1xi32> to vector<32x1xi32>
    %select_n3A_250 = arith.select %eq3A_247, %broadcast_in_dim3A_249, %select_n3A_216 : vector<32x1xi1>, vector<32x1xi32>
    %reduce_max3A_251 = vector.shape_cast %select_n3A_238 : vector<128x128xf32> to vector<1x128x128xf32>
    %reduce_max3A_252 = arith.constant dense<0xFF800000> : vector<1xf32>
    %reduce_max3A_253 = vector.multi_reduction <maximumf>, %reduce_max3A_251, %reduce_max3A_252 [1, 2] : vector<1x128x128xf32> to vector<1xf32>
    %reduce_max3A_254 = vector.shape_cast %reduce_max3A_253 : vector<1xf32> to vector<1x1x1xf32>
    %reduce_max3A_255 = vector.extract %reduce_max3A_254[0, 0, 0] : f32 from vector<1x1x1xf32>
    %broadcast_in_dim3A_256 = vector.broadcast %reduce_max3A_255 : f32 to vector<1x1xf32>
    %eq3A_257 = vector.broadcast %broadcast_in_dim3A_256 : vector<1x1xf32> to vector<128x128xf32>
    %eq3A_258 = arith.cmpf oeq, %select_n3A_238, %eq3A_257 : vector<128x128xf32>
    %jit3A_259 = arith.constant 1073741824 : i32
    %broadcast_in_dim3A_260 = vector.broadcast %jit3A_259 : i32 to vector<128x128xi32>
    %select_n3A_261 = arith.select %eq3A_258, %add3A_42, %broadcast_in_dim3A_260 : vector<128x128xi1>, vector<128x128xi32>
    %reduce_min3A_262 = vector.shape_cast %select_n3A_261 : vector<128x128xi32> to vector<1x128x128xi32>
    %reduce_min3A_263 = arith.constant dense<2147483647> : vector<1xi32>
    %reduce_min3A_264 = vector.multi_reduction <minsi>, %reduce_min3A_262, %reduce_min3A_263 [1, 2] : vector<1x128x128xi32> to vector<1xi32>
    %reduce_min3A_265 = vector.shape_cast %reduce_min3A_264 : vector<1xi32> to vector<1x1x1xi32>
    %reduce_min3A_266 = vector.extract %reduce_min3A_265[0, 0, 0] : i32 from vector<1x1x1xi32>
    %broadcast_in_dim3A_267 = vector.broadcast %reduce_min3A_266 : i32 to vector<1x1xi32>
    %eq3A_268 = vector.broadcast %broadcast_in_dim3A_267 : vector<1x1xi32> to vector<128x128xi32>
    %eq3A_269 = arith.cmpi eq, %add3A_42, %eq3A_268 : vector<128x128xi32>
    %jit3A_270 = arith.constant 0xFF800000 : f32
    %broadcast_in_dim3A_271 = vector.broadcast %jit3A_270 : f32 to vector<128x128xf32>
    %select_n3A_272 = arith.select %eq3A_269, %broadcast_in_dim3A_271, %select_n3A_238 : vector<128x128xi1>, vector<128x128xf32>
    %eq3A_273 = arith.constant 6 : i32
    %eq3A_274 = vector.broadcast %eq3A_273 : i32 to vector<1x32xi32>
    %eq3A_275 = arith.cmpi eq, %iota3A_43, %eq3A_274 : vector<1x32xi32>
    %broadcast_in_dim3A_276 = vector.shape_cast %broadcast_in_dim3A_256 : vector<1x1xf32> to vector<1x1xf32>
    %broadcast_in_dim3A_277 = vector.broadcast %broadcast_in_dim3A_276 : vector<1x1xf32> to vector<1x32xf32>
    %select_n3A_278 = arith.select %eq3A_275, %broadcast_in_dim3A_277, %select_n3A_244 : vector<1x32xi1>, vector<1x32xf32>
    %eq3A_279 = arith.constant 6 : i32
    %eq3A_280 = vector.broadcast %eq3A_279 : i32 to vector<32x1xi32>
    %eq3A_281 = arith.cmpi eq, %iota3A_44, %eq3A_280 : vector<32x1xi32>
    %broadcast_in_dim3A_282 = vector.shape_cast %broadcast_in_dim3A_267 : vector<1x1xi32> to vector<1x1xi32>
    %broadcast_in_dim3A_283 = vector.broadcast %broadcast_in_dim3A_282 : vector<1x1xi32> to vector<32x1xi32>
    %select_n3A_284 = arith.select %eq3A_281, %broadcast_in_dim3A_283, %select_n3A_250 : vector<32x1xi1>, vector<32x1xi32>
    %reduce_max3A_285 = vector.shape_cast %select_n3A_272 : vector<128x128xf32> to vector<1x128x128xf32>
    %reduce_max3A_286 = arith.constant dense<0xFF800000> : vector<1xf32>
    %reduce_max3A_287 = vector.multi_reduction <maximumf>, %reduce_max3A_285, %reduce_max3A_286 [1, 2] : vector<1x128x128xf32> to vector<1xf32>
    %reduce_max3A_288 = vector.shape_cast %reduce_max3A_287 : vector<1xf32> to vector<1x1x1xf32>
    %reduce_max3A_289 = vector.extract %reduce_max3A_288[0, 0, 0] : f32 from vector<1x1x1xf32>
    %broadcast_in_dim3A_290 = vector.broadcast %reduce_max3A_289 : f32 to vector<1x1xf32>
    %eq3A_291 = vector.broadcast %broadcast_in_dim3A_290 : vector<1x1xf32> to vector<128x128xf32>
    %eq3A_292 = arith.cmpf oeq, %select_n3A_272, %eq3A_291 : vector<128x128xf32>
    %jit3A_293 = arith.constant 1073741824 : i32
    %broadcast_in_dim3A_294 = vector.broadcast %jit3A_293 : i32 to vector<128x128xi32>
    %select_n3A_295 = arith.select %eq3A_292, %add3A_42, %broadcast_in_dim3A_294 : vector<128x128xi1>, vector<128x128xi32>
    %reduce_min3A_296 = vector.shape_cast %select_n3A_295 : vector<128x128xi32> to vector<1x128x128xi32>
    %reduce_min3A_297 = arith.constant dense<2147483647> : vector<1xi32>
    %reduce_min3A_298 = vector.multi_reduction <minsi>, %reduce_min3A_296, %reduce_min3A_297 [1, 2] : vector<1x128x128xi32> to vector<1xi32>
    %reduce_min3A_299 = vector.shape_cast %reduce_min3A_298 : vector<1xi32> to vector<1x1x1xi32>
    %reduce_min3A_300 = vector.extract %reduce_min3A_299[0, 0, 0] : i32 from vector<1x1x1xi32>
    %broadcast_in_dim3A_301 = vector.broadcast %reduce_min3A_300 : i32 to vector<1x1xi32>
    %eq3A_302 = vector.broadcast %broadcast_in_dim3A_301 : vector<1x1xi32> to vector<128x128xi32>
    %eq3A_303 = arith.cmpi eq, %add3A_42, %eq3A_302 : vector<128x128xi32>
    %jit3A_304 = arith.constant 0xFF800000 : f32
    %broadcast_in_dim3A_305 = vector.broadcast %jit3A_304 : f32 to vector<128x128xf32>
    %select_n3A_306 = arith.select %eq3A_303, %broadcast_in_dim3A_305, %select_n3A_272 : vector<128x128xi1>, vector<128x128xf32>
    %eq3A_307 = arith.constant 7 : i32
    %eq3A_308 = vector.broadcast %eq3A_307 : i32 to vector<1x32xi32>
    %eq3A_309 = arith.cmpi eq, %iota3A_43, %eq3A_308 : vector<1x32xi32>
    %broadcast_in_dim3A_310 = vector.shape_cast %broadcast_in_dim3A_290 : vector<1x1xf32> to vector<1x1xf32>
    %broadcast_in_dim3A_311 = vector.broadcast %broadcast_in_dim3A_310 : vector<1x1xf32> to vector<1x32xf32>
    %select_n3A_312 = arith.select %eq3A_309, %broadcast_in_dim3A_311, %select_n3A_278 : vector<1x32xi1>, vector<1x32xf32>
    %eq3A_313 = arith.constant 7 : i32
    %eq3A_314 = vector.broadcast %eq3A_313 : i32 to vector<32x1xi32>
    %eq3A_315 = arith.cmpi eq, %iota3A_44, %eq3A_314 : vector<32x1xi32>
    %broadcast_in_dim3A_316 = vector.shape_cast %broadcast_in_dim3A_301 : vector<1x1xi32> to vector<1x1xi32>
    %broadcast_in_dim3A_317 = vector.broadcast %broadcast_in_dim3A_316 : vector<1x1xi32> to vector<32x1xi32>
    %select_n3A_318 = arith.select %eq3A_315, %broadcast_in_dim3A_317, %select_n3A_284 : vector<32x1xi1>, vector<32x1xi32>
    %reduce_max3A_319 = vector.shape_cast %select_n3A_306 : vector<128x128xf32> to vector<1x128x128xf32>
    %reduce_max3A_320 = arith.constant dense<0xFF800000> : vector<1xf32>
    %reduce_max3A_321 = vector.multi_reduction <maximumf>, %reduce_max3A_319, %reduce_max3A_320 [1, 2] : vector<1x128x128xf32> to vector<1xf32>
    %reduce_max3A_322 = vector.shape_cast %reduce_max3A_321 : vector<1xf32> to vector<1x1x1xf32>
    %reduce_max3A_323 = vector.extract %reduce_max3A_322[0, 0, 0] : f32 from vector<1x1x1xf32>
    %broadcast_in_dim3A_324 = vector.broadcast %reduce_max3A_323 : f32 to vector<1x1xf32>
    %eq3A_325 = vector.broadcast %broadcast_in_dim3A_324 : vector<1x1xf32> to vector<128x128xf32>
    %eq3A_326 = arith.cmpf oeq, %select_n3A_306, %eq3A_325 : vector<128x128xf32>
    %jit3A_327 = arith.constant 1073741824 : i32
    %broadcast_in_dim3A_328 = vector.broadcast %jit3A_327 : i32 to vector<128x128xi32>
    %select_n3A_329 = arith.select %eq3A_326, %add3A_42, %broadcast_in_dim3A_328 : vector<128x128xi1>, vector<128x128xi32>
    %reduce_min3A_330 = vector.shape_cast %select_n3A_329 : vector<128x128xi32> to vector<1x128x128xi32>
    %reduce_min3A_331 = arith.constant dense<2147483647> : vector<1xi32>
    %reduce_min3A_332 = vector.multi_reduction <minsi>, %reduce_min3A_330, %reduce_min3A_331 [1, 2] : vector<1x128x128xi32> to vector<1xi32>
    %reduce_min3A_333 = vector.shape_cast %reduce_min3A_332 : vector<1xi32> to vector<1x1x1xi32>
    %reduce_min3A_334 = vector.extract %reduce_min3A_333[0, 0, 0] : i32 from vector<1x1x1xi32>
    %broadcast_in_dim3A_335 = vector.broadcast %reduce_min3A_334 : i32 to vector<1x1xi32>
    %eq3A_336 = vector.broadcast %broadcast_in_dim3A_335 : vector<1x1xi32> to vector<128x128xi32>
    %eq3A_337 = arith.cmpi eq, %add3A_42, %eq3A_336 : vector<128x128xi32>
    %jit3A_338 = arith.constant 0xFF800000 : f32
    %broadcast_in_dim3A_339 = vector.broadcast %jit3A_338 : f32 to vector<128x128xf32>
    %select_n3A_340 = arith.select %eq3A_337, %broadcast_in_dim3A_339, %select_n3A_306 : vector<128x128xi1>, vector<128x128xf32>
    %eq3A_341 = arith.constant 8 : i32
    %eq3A_342 = vector.broadcast %eq3A_341 : i32 to vector<1x32xi32>
    %eq3A_343 = arith.cmpi eq, %iota3A_43, %eq3A_342 : vector<1x32xi32>
    %broadcast_in_dim3A_344 = vector.shape_cast %broadcast_in_dim3A_324 : vector<1x1xf32> to vector<1x1xf32>
    %broadcast_in_dim3A_345 = vector.broadcast %broadcast_in_dim3A_344 : vector<1x1xf32> to vector<1x32xf32>
    %select_n3A_346 = arith.select %eq3A_343, %broadcast_in_dim3A_345, %select_n3A_312 : vector<1x32xi1>, vector<1x32xf32>
    %eq3A_347 = arith.constant 8 : i32
    %eq3A_348 = vector.broadcast %eq3A_347 : i32 to vector<32x1xi32>
    %eq3A_349 = arith.cmpi eq, %iota3A_44, %eq3A_348 : vector<32x1xi32>
    %broadcast_in_dim3A_350 = vector.shape_cast %broadcast_in_dim3A_335 : vector<1x1xi32> to vector<1x1xi32>
    %broadcast_in_dim3A_351 = vector.broadcast %broadcast_in_dim3A_350 : vector<1x1xi32> to vector<32x1xi32>
    %select_n3A_352 = arith.select %eq3A_349, %broadcast_in_dim3A_351, %select_n3A_318 : vector<32x1xi1>, vector<32x1xi32>
    %reduce_max3A_353 = vector.shape_cast %select_n3A_340 : vector<128x128xf32> to vector<1x128x128xf32>
    %reduce_max3A_354 = arith.constant dense<0xFF800000> : vector<1xf32>
    %reduce_max3A_355 = vector.multi_reduction <maximumf>, %reduce_max3A_353, %reduce_max3A_354 [1, 2] : vector<1x128x128xf32> to vector<1xf32>
    %reduce_max3A_356 = vector.shape_cast %reduce_max3A_355 : vector<1xf32> to vector<1x1x1xf32>
    %reduce_max3A_357 = vector.extract %reduce_max3A_356[0, 0, 0] : f32 from vector<1x1x1xf32>
    %broadcast_in_dim3A_358 = vector.broadcast %reduce_max3A_357 : f32 to vector<1x1xf32>
    %eq3A_359 = vector.broadcast %broadcast_in_dim3A_358 : vector<1x1xf32> to vector<128x128xf32>
    %eq3A_360 = arith.cmpf oeq, %select_n3A_340, %eq3A_359 : vector<128x128xf32>
    %jit3A_361 = arith.constant 1073741824 : i32
    %broadcast_in_dim3A_362 = vector.broadcast %jit3A_361 : i32 to vector<128x128xi32>
    %select_n3A_363 = arith.select %eq3A_360, %add3A_42, %broadcast_in_dim3A_362 : vector<128x128xi1>, vector<128x128xi32>
    %reduce_min3A_364 = vector.shape_cast %select_n3A_363 : vector<128x128xi32> to vector<1x128x128xi32>
    %reduce_min3A_365 = arith.constant dense<2147483647> : vector<1xi32>
    %reduce_min3A_366 = vector.multi_reduction <minsi>, %reduce_min3A_364, %reduce_min3A_365 [1, 2] : vector<1x128x128xi32> to vector<1xi32>
    %reduce_min3A_367 = vector.shape_cast %reduce_min3A_366 : vector<1xi32> to vector<1x1x1xi32>
    %reduce_min3A_368 = vector.extract %reduce_min3A_367[0, 0, 0] : i32 from vector<1x1x1xi32>
    %broadcast_in_dim3A_369 = vector.broadcast %reduce_min3A_368 : i32 to vector<1x1xi32>
    %eq3A_370 = vector.broadcast %broadcast_in_dim3A_369 : vector<1x1xi32> to vector<128x128xi32>
    %eq3A_371 = arith.cmpi eq, %add3A_42, %eq3A_370 : vector<128x128xi32>
    %jit3A_372 = arith.constant 0xFF800000 : f32
    %broadcast_in_dim3A_373 = vector.broadcast %jit3A_372 : f32 to vector<128x128xf32>
    %select_n3A_374 = arith.select %eq3A_371, %broadcast_in_dim3A_373, %select_n3A_340 : vector<128x128xi1>, vector<128x128xf32>
    %eq3A_375 = arith.constant 9 : i32
    %eq3A_376 = vector.broadcast %eq3A_375 : i32 to vector<1x32xi32>
    %eq3A_377 = arith.cmpi eq, %iota3A_43, %eq3A_376 : vector<1x32xi32>
    %broadcast_in_dim3A_378 = vector.shape_cast %broadcast_in_dim3A_358 : vector<1x1xf32> to vector<1x1xf32>
    %broadcast_in_dim3A_379 = vector.broadcast %broadcast_in_dim3A_378 : vector<1x1xf32> to vector<1x32xf32>
    %select_n3A_380 = arith.select %eq3A_377, %broadcast_in_dim3A_379, %select_n3A_346 : vector<1x32xi1>, vector<1x32xf32>
    %eq3A_381 = arith.constant 9 : i32
    %eq3A_382 = vector.broadcast %eq3A_381 : i32 to vector<32x1xi32>
    %eq3A_383 = arith.cmpi eq, %iota3A_44, %eq3A_382 : vector<32x1xi32>
    %broadcast_in_dim3A_384 = vector.shape_cast %broadcast_in_dim3A_369 : vector<1x1xi32> to vector<1x1xi32>
    %broadcast_in_dim3A_385 = vector.broadcast %broadcast_in_dim3A_384 : vector<1x1xi32> to vector<32x1xi32>
    %select_n3A_386 = arith.select %eq3A_383, %broadcast_in_dim3A_385, %select_n3A_352 : vector<32x1xi1>, vector<32x1xi32>
    %reduce_max3A_387 = vector.shape_cast %select_n3A_374 : vector<128x128xf32> to vector<1x128x128xf32>
    %reduce_max3A_388 = arith.constant dense<0xFF800000> : vector<1xf32>
    %reduce_max3A_389 = vector.multi_reduction <maximumf>, %reduce_max3A_387, %reduce_max3A_388 [1, 2] : vector<1x128x128xf32> to vector<1xf32>
    %reduce_max3A_390 = vector.shape_cast %reduce_max3A_389 : vector<1xf32> to vector<1x1x1xf32>
    %reduce_max3A_391 = vector.extract %reduce_max3A_390[0, 0, 0] : f32 from vector<1x1x1xf32>
    %broadcast_in_dim3A_392 = vector.broadcast %reduce_max3A_391 : f32 to vector<1x1xf32>
    %eq3A_393 = vector.broadcast %broadcast_in_dim3A_392 : vector<1x1xf32> to vector<128x128xf32>
    %eq3A_394 = arith.cmpf oeq, %select_n3A_374, %eq3A_393 : vector<128x128xf32>
    %jit3A_395 = arith.constant 1073741824 : i32
    %broadcast_in_dim3A_396 = vector.broadcast %jit3A_395 : i32 to vector<128x128xi32>
    %select_n3A_397 = arith.select %eq3A_394, %add3A_42, %broadcast_in_dim3A_396 : vector<128x128xi1>, vector<128x128xi32>
    %reduce_min3A_398 = vector.shape_cast %select_n3A_397 : vector<128x128xi32> to vector<1x128x128xi32>
    %reduce_min3A_399 = arith.constant dense<2147483647> : vector<1xi32>
    %reduce_min3A_400 = vector.multi_reduction <minsi>, %reduce_min3A_398, %reduce_min3A_399 [1, 2] : vector<1x128x128xi32> to vector<1xi32>
    %reduce_min3A_401 = vector.shape_cast %reduce_min3A_400 : vector<1xi32> to vector<1x1x1xi32>
    %reduce_min3A_402 = vector.extract %reduce_min3A_401[0, 0, 0] : i32 from vector<1x1x1xi32>
    %broadcast_in_dim3A_403 = vector.broadcast %reduce_min3A_402 : i32 to vector<1x1xi32>
    %eq3A_404 = vector.broadcast %broadcast_in_dim3A_403 : vector<1x1xi32> to vector<128x128xi32>
    %eq3A_405 = arith.cmpi eq, %add3A_42, %eq3A_404 : vector<128x128xi32>
    %jit3A_406 = arith.constant 0xFF800000 : f32
    %broadcast_in_dim3A_407 = vector.broadcast %jit3A_406 : f32 to vector<128x128xf32>
    %select_n3A_408 = arith.select %eq3A_405, %broadcast_in_dim3A_407, %select_n3A_374 : vector<128x128xi1>, vector<128x128xf32>
    %eq3A_409 = arith.constant 10 : i32
    %eq3A_410 = vector.broadcast %eq3A_409 : i32 to vector<1x32xi32>
    %eq3A_411 = arith.cmpi eq, %iota3A_43, %eq3A_410 : vector<1x32xi32>
    %broadcast_in_dim3A_412 = vector.shape_cast %broadcast_in_dim3A_392 : vector<1x1xf32> to vector<1x1xf32>
    %broadcast_in_dim3A_413 = vector.broadcast %broadcast_in_dim3A_412 : vector<1x1xf32> to vector<1x32xf32>
    %select_n3A_414 = arith.select %eq3A_411, %broadcast_in_dim3A_413, %select_n3A_380 : vector<1x32xi1>, vector<1x32xf32>
    %eq3A_415 = arith.constant 10 : i32
    %eq3A_416 = vector.broadcast %eq3A_415 : i32 to vector<32x1xi32>
    %eq3A_417 = arith.cmpi eq, %iota3A_44, %eq3A_416 : vector<32x1xi32>
    %broadcast_in_dim3A_418 = vector.shape_cast %broadcast_in_dim3A_403 : vector<1x1xi32> to vector<1x1xi32>
    %broadcast_in_dim3A_419 = vector.broadcast %broadcast_in_dim3A_418 : vector<1x1xi32> to vector<32x1xi32>
    %select_n3A_420 = arith.select %eq3A_417, %broadcast_in_dim3A_419, %select_n3A_386 : vector<32x1xi1>, vector<32x1xi32>
    %reduce_max3A_421 = vector.shape_cast %select_n3A_408 : vector<128x128xf32> to vector<1x128x128xf32>
    %reduce_max3A_422 = arith.constant dense<0xFF800000> : vector<1xf32>
    %reduce_max3A_423 = vector.multi_reduction <maximumf>, %reduce_max3A_421, %reduce_max3A_422 [1, 2] : vector<1x128x128xf32> to vector<1xf32>
    %reduce_max3A_424 = vector.shape_cast %reduce_max3A_423 : vector<1xf32> to vector<1x1x1xf32>
    %reduce_max3A_425 = vector.extract %reduce_max3A_424[0, 0, 0] : f32 from vector<1x1x1xf32>
    %broadcast_in_dim3A_426 = vector.broadcast %reduce_max3A_425 : f32 to vector<1x1xf32>
    %eq3A_427 = vector.broadcast %broadcast_in_dim3A_426 : vector<1x1xf32> to vector<128x128xf32>
    %eq3A_428 = arith.cmpf oeq, %select_n3A_408, %eq3A_427 : vector<128x128xf32>
    %jit3A_429 = arith.constant 1073741824 : i32
    %broadcast_in_dim3A_430 = vector.broadcast %jit3A_429 : i32 to vector<128x128xi32>
    %select_n3A_431 = arith.select %eq3A_428, %add3A_42, %broadcast_in_dim3A_430 : vector<128x128xi1>, vector<128x128xi32>
    %reduce_min3A_432 = vector.shape_cast %select_n3A_431 : vector<128x128xi32> to vector<1x128x128xi32>
    %reduce_min3A_433 = arith.constant dense<2147483647> : vector<1xi32>
    %reduce_min3A_434 = vector.multi_reduction <minsi>, %reduce_min3A_432, %reduce_min3A_433 [1, 2] : vector<1x128x128xi32> to vector<1xi32>
    %reduce_min3A_435 = vector.shape_cast %reduce_min3A_434 : vector<1xi32> to vector<1x1x1xi32>
    %reduce_min3A_436 = vector.extract %reduce_min3A_435[0, 0, 0] : i32 from vector<1x1x1xi32>
    %broadcast_in_dim3A_437 = vector.broadcast %reduce_min3A_436 : i32 to vector<1x1xi32>
    %eq3A_438 = vector.broadcast %broadcast_in_dim3A_437 : vector<1x1xi32> to vector<128x128xi32>
    %eq3A_439 = arith.cmpi eq, %add3A_42, %eq3A_438 : vector<128x128xi32>
    %jit3A_440 = arith.constant 0xFF800000 : f32
    %broadcast_in_dim3A_441 = vector.broadcast %jit3A_440 : f32 to vector<128x128xf32>
    %select_n3A_442 = arith.select %eq3A_439, %broadcast_in_dim3A_441, %select_n3A_408 : vector<128x128xi1>, vector<128x128xf32>
    %eq3A_443 = arith.constant 11 : i32
    %eq3A_444 = vector.broadcast %eq3A_443 : i32 to vector<1x32xi32>
    %eq3A_445 = arith.cmpi eq, %iota3A_43, %eq3A_444 : vector<1x32xi32>
    %broadcast_in_dim3A_446 = vector.shape_cast %broadcast_in_dim3A_426 : vector<1x1xf32> to vector<1x1xf32>
    %broadcast_in_dim3A_447 = vector.broadcast %broadcast_in_dim3A_446 : vector<1x1xf32> to vector<1x32xf32>
    %select_n3A_448 = arith.select %eq3A_445, %broadcast_in_dim3A_447, %select_n3A_414 : vector<1x32xi1>, vector<1x32xf32>
    %eq3A_449 = arith.constant 11 : i32
    %eq3A_450 = vector.broadcast %eq3A_449 : i32 to vector<32x1xi32>
    %eq3A_451 = arith.cmpi eq, %iota3A_44, %eq3A_450 : vector<32x1xi32>
    %broadcast_in_dim3A_452 = vector.shape_cast %broadcast_in_dim3A_437 : vector<1x1xi32> to vector<1x1xi32>
    %broadcast_in_dim3A_453 = vector.broadcast %broadcast_in_dim3A_452 : vector<1x1xi32> to vector<32x1xi32>
    %select_n3A_454 = arith.select %eq3A_451, %broadcast_in_dim3A_453, %select_n3A_420 : vector<32x1xi1>, vector<32x1xi32>
    %reduce_max3A_455 = vector.shape_cast %select_n3A_442 : vector<128x128xf32> to vector<1x128x128xf32>
    %reduce_max3A_456 = arith.constant dense<0xFF800000> : vector<1xf32>
    %reduce_max3A_457 = vector.multi_reduction <maximumf>, %reduce_max3A_455, %reduce_max3A_456 [1, 2] : vector<1x128x128xf32> to vector<1xf32>
    %reduce_max3A_458 = vector.shape_cast %reduce_max3A_457 : vector<1xf32> to vector<1x1x1xf32>
    %reduce_max3A_459 = vector.extract %reduce_max3A_458[0, 0, 0] : f32 from vector<1x1x1xf32>
    %broadcast_in_dim3A_460 = vector.broadcast %reduce_max3A_459 : f32 to vector<1x1xf32>
    %eq3A_461 = vector.broadcast %broadcast_in_dim3A_460 : vector<1x1xf32> to vector<128x128xf32>
    %eq3A_462 = arith.cmpf oeq, %select_n3A_442, %eq3A_461 : vector<128x128xf32>
    %jit3A_463 = arith.constant 1073741824 : i32
    %broadcast_in_dim3A_464 = vector.broadcast %jit3A_463 : i32 to vector<128x128xi32>
    %select_n3A_465 = arith.select %eq3A_462, %add3A_42, %broadcast_in_dim3A_464 : vector<128x128xi1>, vector<128x128xi32>
    %reduce_min3A_466 = vector.shape_cast %select_n3A_465 : vector<128x128xi32> to vector<1x128x128xi32>
    %reduce_min3A_467 = arith.constant dense<2147483647> : vector<1xi32>
    %reduce_min3A_468 = vector.multi_reduction <minsi>, %reduce_min3A_466, %reduce_min3A_467 [1, 2] : vector<1x128x128xi32> to vector<1xi32>
    %reduce_min3A_469 = vector.shape_cast %reduce_min3A_468 : vector<1xi32> to vector<1x1x1xi32>
    %reduce_min3A_470 = vector.extract %reduce_min3A_469[0, 0, 0] : i32 from vector<1x1x1xi32>
    %broadcast_in_dim3A_471 = vector.broadcast %reduce_min3A_470 : i32 to vector<1x1xi32>
    %eq3A_472 = vector.broadcast %broadcast_in_dim3A_471 : vector<1x1xi32> to vector<128x128xi32>
    %eq3A_473 = arith.cmpi eq, %add3A_42, %eq3A_472 : vector<128x128xi32>
    %jit3A_474 = arith.constant 0xFF800000 : f32
    %broadcast_in_dim3A_475 = vector.broadcast %jit3A_474 : f32 to vector<128x128xf32>
    %select_n3A_476 = arith.select %eq3A_473, %broadcast_in_dim3A_475, %select_n3A_442 : vector<128x128xi1>, vector<128x128xf32>
    %eq3A_477 = arith.constant 12 : i32
    %eq3A_478 = vector.broadcast %eq3A_477 : i32 to vector<1x32xi32>
    %eq3A_479 = arith.cmpi eq, %iota3A_43, %eq3A_478 : vector<1x32xi32>
    %broadcast_in_dim3A_480 = vector.shape_cast %broadcast_in_dim3A_460 : vector<1x1xf32> to vector<1x1xf32>
    %broadcast_in_dim3A_481 = vector.broadcast %broadcast_in_dim3A_480 : vector<1x1xf32> to vector<1x32xf32>
    %select_n3A_482 = arith.select %eq3A_479, %broadcast_in_dim3A_481, %select_n3A_448 : vector<1x32xi1>, vector<1x32xf32>
    %eq3A_483 = arith.constant 12 : i32
    %eq3A_484 = vector.broadcast %eq3A_483 : i32 to vector<32x1xi32>
    %eq3A_485 = arith.cmpi eq, %iota3A_44, %eq3A_484 : vector<32x1xi32>
    %broadcast_in_dim3A_486 = vector.shape_cast %broadcast_in_dim3A_471 : vector<1x1xi32> to vector<1x1xi32>
    %broadcast_in_dim3A_487 = vector.broadcast %broadcast_in_dim3A_486 : vector<1x1xi32> to vector<32x1xi32>
    %select_n3A_488 = arith.select %eq3A_485, %broadcast_in_dim3A_487, %select_n3A_454 : vector<32x1xi1>, vector<32x1xi32>
    %reduce_max3A_489 = vector.shape_cast %select_n3A_476 : vector<128x128xf32> to vector<1x128x128xf32>
    %reduce_max3A_490 = arith.constant dense<0xFF800000> : vector<1xf32>
    %reduce_max3A_491 = vector.multi_reduction <maximumf>, %reduce_max3A_489, %reduce_max3A_490 [1, 2] : vector<1x128x128xf32> to vector<1xf32>
    %reduce_max3A_492 = vector.shape_cast %reduce_max3A_491 : vector<1xf32> to vector<1x1x1xf32>
    %reduce_max3A_493 = vector.extract %reduce_max3A_492[0, 0, 0] : f32 from vector<1x1x1xf32>
    %broadcast_in_dim3A_494 = vector.broadcast %reduce_max3A_493 : f32 to vector<1x1xf32>
    %eq3A_495 = vector.broadcast %broadcast_in_dim3A_494 : vector<1x1xf32> to vector<128x128xf32>
    %eq3A_496 = arith.cmpf oeq, %select_n3A_476, %eq3A_495 : vector<128x128xf32>
    %jit3A_497 = arith.constant 1073741824 : i32
    %broadcast_in_dim3A_498 = vector.broadcast %jit3A_497 : i32 to vector<128x128xi32>
    %select_n3A_499 = arith.select %eq3A_496, %add3A_42, %broadcast_in_dim3A_498 : vector<128x128xi1>, vector<128x128xi32>
    %reduce_min3A_500 = vector.shape_cast %select_n3A_499 : vector<128x128xi32> to vector<1x128x128xi32>
    %reduce_min3A_501 = arith.constant dense<2147483647> : vector<1xi32>
    %reduce_min3A_502 = vector.multi_reduction <minsi>, %reduce_min3A_500, %reduce_min3A_501 [1, 2] : vector<1x128x128xi32> to vector<1xi32>
    %reduce_min3A_503 = vector.shape_cast %reduce_min3A_502 : vector<1xi32> to vector<1x1x1xi32>
    %reduce_min3A_504 = vector.extract %reduce_min3A_503[0, 0, 0] : i32 from vector<1x1x1xi32>
    %broadcast_in_dim3A_505 = vector.broadcast %reduce_min3A_504 : i32 to vector<1x1xi32>
    %eq3A_506 = vector.broadcast %broadcast_in_dim3A_505 : vector<1x1xi32> to vector<128x128xi32>
    %eq3A_507 = arith.cmpi eq, %add3A_42, %eq3A_506 : vector<128x128xi32>
    %jit3A_508 = arith.constant 0xFF800000 : f32
    %broadcast_in_dim3A_509 = vector.broadcast %jit3A_508 : f32 to vector<128x128xf32>
    %select_n3A_510 = arith.select %eq3A_507, %broadcast_in_dim3A_509, %select_n3A_476 : vector<128x128xi1>, vector<128x128xf32>
    %eq3A_511 = arith.constant 13 : i32
    %eq3A_512 = vector.broadcast %eq3A_511 : i32 to vector<1x32xi32>
    %eq3A_513 = arith.cmpi eq, %iota3A_43, %eq3A_512 : vector<1x32xi32>
    %broadcast_in_dim3A_514 = vector.shape_cast %broadcast_in_dim3A_494 : vector<1x1xf32> to vector<1x1xf32>
    %broadcast_in_dim3A_515 = vector.broadcast %broadcast_in_dim3A_514 : vector<1x1xf32> to vector<1x32xf32>
    %select_n3A_516 = arith.select %eq3A_513, %broadcast_in_dim3A_515, %select_n3A_482 : vector<1x32xi1>, vector<1x32xf32>
    %eq3A_517 = arith.constant 13 : i32
    %eq3A_518 = vector.broadcast %eq3A_517 : i32 to vector<32x1xi32>
    %eq3A_519 = arith.cmpi eq, %iota3A_44, %eq3A_518 : vector<32x1xi32>
    %broadcast_in_dim3A_520 = vector.shape_cast %broadcast_in_dim3A_505 : vector<1x1xi32> to vector<1x1xi32>
    %broadcast_in_dim3A_521 = vector.broadcast %broadcast_in_dim3A_520 : vector<1x1xi32> to vector<32x1xi32>
    %select_n3A_522 = arith.select %eq3A_519, %broadcast_in_dim3A_521, %select_n3A_488 : vector<32x1xi1>, vector<32x1xi32>
    %reduce_max3A_523 = vector.shape_cast %select_n3A_510 : vector<128x128xf32> to vector<1x128x128xf32>
    %reduce_max3A_524 = arith.constant dense<0xFF800000> : vector<1xf32>
    %reduce_max3A_525 = vector.multi_reduction <maximumf>, %reduce_max3A_523, %reduce_max3A_524 [1, 2] : vector<1x128x128xf32> to vector<1xf32>
    %reduce_max3A_526 = vector.shape_cast %reduce_max3A_525 : vector<1xf32> to vector<1x1x1xf32>
    %reduce_max3A_527 = vector.extract %reduce_max3A_526[0, 0, 0] : f32 from vector<1x1x1xf32>
    %broadcast_in_dim3A_528 = vector.broadcast %reduce_max3A_527 : f32 to vector<1x1xf32>
    %eq3A_529 = vector.broadcast %broadcast_in_dim3A_528 : vector<1x1xf32> to vector<128x128xf32>
    %eq3A_530 = arith.cmpf oeq, %select_n3A_510, %eq3A_529 : vector<128x128xf32>
    %jit3A_531 = arith.constant 1073741824 : i32
    %broadcast_in_dim3A_532 = vector.broadcast %jit3A_531 : i32 to vector<128x128xi32>
    %select_n3A_533 = arith.select %eq3A_530, %add3A_42, %broadcast_in_dim3A_532 : vector<128x128xi1>, vector<128x128xi32>
    %reduce_min3A_534 = vector.shape_cast %select_n3A_533 : vector<128x128xi32> to vector<1x128x128xi32>
    %reduce_min3A_535 = arith.constant dense<2147483647> : vector<1xi32>
    %reduce_min3A_536 = vector.multi_reduction <minsi>, %reduce_min3A_534, %reduce_min3A_535 [1, 2] : vector<1x128x128xi32> to vector<1xi32>
    %reduce_min3A_537 = vector.shape_cast %reduce_min3A_536 : vector<1xi32> to vector<1x1x1xi32>
    %reduce_min3A_538 = vector.extract %reduce_min3A_537[0, 0, 0] : i32 from vector<1x1x1xi32>
    %broadcast_in_dim3A_539 = vector.broadcast %reduce_min3A_538 : i32 to vector<1x1xi32>
    %eq3A_540 = vector.broadcast %broadcast_in_dim3A_539 : vector<1x1xi32> to vector<128x128xi32>
    %eq3A_541 = arith.cmpi eq, %add3A_42, %eq3A_540 : vector<128x128xi32>
    %jit3A_542 = arith.constant 0xFF800000 : f32
    %broadcast_in_dim3A_543 = vector.broadcast %jit3A_542 : f32 to vector<128x128xf32>
    %select_n3A_544 = arith.select %eq3A_541, %broadcast_in_dim3A_543, %select_n3A_510 : vector<128x128xi1>, vector<128x128xf32>
    %eq3A_545 = arith.constant 14 : i32
    %eq3A_546 = vector.broadcast %eq3A_545 : i32 to vector<1x32xi32>
    %eq3A_547 = arith.cmpi eq, %iota3A_43, %eq3A_546 : vector<1x32xi32>
    %broadcast_in_dim3A_548 = vector.shape_cast %broadcast_in_dim3A_528 : vector<1x1xf32> to vector<1x1xf32>
    %broadcast_in_dim3A_549 = vector.broadcast %broadcast_in_dim3A_548 : vector<1x1xf32> to vector<1x32xf32>
    %select_n3A_550 = arith.select %eq3A_547, %broadcast_in_dim3A_549, %select_n3A_516 : vector<1x32xi1>, vector<1x32xf32>
    %eq3A_551 = arith.constant 14 : i32
    %eq3A_552 = vector.broadcast %eq3A_551 : i32 to vector<32x1xi32>
    %eq3A_553 = arith.cmpi eq, %iota3A_44, %eq3A_552 : vector<32x1xi32>
    %broadcast_in_dim3A_554 = vector.shape_cast %broadcast_in_dim3A_539 : vector<1x1xi32> to vector<1x1xi32>
    %broadcast_in_dim3A_555 = vector.broadcast %broadcast_in_dim3A_554 : vector<1x1xi32> to vector<32x1xi32>
    %select_n3A_556 = arith.select %eq3A_553, %broadcast_in_dim3A_555, %select_n3A_522 : vector<32x1xi1>, vector<32x1xi32>
    %reduce_max3A_557 = vector.shape_cast %select_n3A_544 : vector<128x128xf32> to vector<1x128x128xf32>
    %reduce_max3A_558 = arith.constant dense<0xFF800000> : vector<1xf32>
    %reduce_max3A_559 = vector.multi_reduction <maximumf>, %reduce_max3A_557, %reduce_max3A_558 [1, 2] : vector<1x128x128xf32> to vector<1xf32>
    %reduce_max3A_560 = vector.shape_cast %reduce_max3A_559 : vector<1xf32> to vector<1x1x1xf32>
    %reduce_max3A_561 = vector.extract %reduce_max3A_560[0, 0, 0] : f32 from vector<1x1x1xf32>
    %broadcast_in_dim3A_562 = vector.broadcast %reduce_max3A_561 : f32 to vector<1x1xf32>
    %eq3A_563 = vector.broadcast %broadcast_in_dim3A_562 : vector<1x1xf32> to vector<128x128xf32>
    %eq3A_564 = arith.cmpf oeq, %select_n3A_544, %eq3A_563 : vector<128x128xf32>
    %jit3A_565 = arith.constant 1073741824 : i32
    %broadcast_in_dim3A_566 = vector.broadcast %jit3A_565 : i32 to vector<128x128xi32>
    %select_n3A_567 = arith.select %eq3A_564, %add3A_42, %broadcast_in_dim3A_566 : vector<128x128xi1>, vector<128x128xi32>
    %reduce_min3A_568 = vector.shape_cast %select_n3A_567 : vector<128x128xi32> to vector<1x128x128xi32>
    %reduce_min3A_569 = arith.constant dense<2147483647> : vector<1xi32>
    %reduce_min3A_570 = vector.multi_reduction <minsi>, %reduce_min3A_568, %reduce_min3A_569 [1, 2] : vector<1x128x128xi32> to vector<1xi32>
    %reduce_min3A_571 = vector.shape_cast %reduce_min3A_570 : vector<1xi32> to vector<1x1x1xi32>
    %reduce_min3A_572 = vector.extract %reduce_min3A_571[0, 0, 0] : i32 from vector<1x1x1xi32>
    %broadcast_in_dim3A_573 = vector.broadcast %reduce_min3A_572 : i32 to vector<1x1xi32>
    %eq3A_574 = vector.broadcast %broadcast_in_dim3A_573 : vector<1x1xi32> to vector<128x128xi32>
    %eq3A_575 = arith.cmpi eq, %add3A_42, %eq3A_574 : vector<128x128xi32>
    %jit3A_576 = arith.constant 0xFF800000 : f32
    %broadcast_in_dim3A_577 = vector.broadcast %jit3A_576 : f32 to vector<128x128xf32>
    %select_n3A_578 = arith.select %eq3A_575, %broadcast_in_dim3A_577, %select_n3A_544 : vector<128x128xi1>, vector<128x128xf32>
    %eq3A_579 = arith.constant 15 : i32
    %eq3A_580 = vector.broadcast %eq3A_579 : i32 to vector<1x32xi32>
    %eq3A_581 = arith.cmpi eq, %iota3A_43, %eq3A_580 : vector<1x32xi32>
    %broadcast_in_dim3A_582 = vector.shape_cast %broadcast_in_dim3A_562 : vector<1x1xf32> to vector<1x1xf32>
    %broadcast_in_dim3A_583 = vector.broadcast %broadcast_in_dim3A_582 : vector<1x1xf32> to vector<1x32xf32>
    %select_n3A_584 = arith.select %eq3A_581, %broadcast_in_dim3A_583, %select_n3A_550 : vector<1x32xi1>, vector<1x32xf32>
    %eq3A_585 = arith.constant 15 : i32
    %eq3A_586 = vector.broadcast %eq3A_585 : i32 to vector<32x1xi32>
    %eq3A_587 = arith.cmpi eq, %iota3A_44, %eq3A_586 : vector<32x1xi32>
    %broadcast_in_dim3A_588 = vector.shape_cast %broadcast_in_dim3A_573 : vector<1x1xi32> to vector<1x1xi32>
    %broadcast_in_dim3A_589 = vector.broadcast %broadcast_in_dim3A_588 : vector<1x1xi32> to vector<32x1xi32>
    %select_n3A_590 = arith.select %eq3A_587, %broadcast_in_dim3A_589, %select_n3A_556 : vector<32x1xi1>, vector<32x1xi32>
    %reduce_max3A_591 = vector.shape_cast %select_n3A_578 : vector<128x128xf32> to vector<1x128x128xf32>
    %reduce_max3A_592 = arith.constant dense<0xFF800000> : vector<1xf32>
    %reduce_max3A_593 = vector.multi_reduction <maximumf>, %reduce_max3A_591, %reduce_max3A_592 [1, 2] : vector<1x128x128xf32> to vector<1xf32>
    %reduce_max3A_594 = vector.shape_cast %reduce_max3A_593 : vector<1xf32> to vector<1x1x1xf32>
    %reduce_max3A_595 = vector.extract %reduce_max3A_594[0, 0, 0] : f32 from vector<1x1x1xf32>
    %broadcast_in_dim3A_596 = vector.broadcast %reduce_max3A_595 : f32 to vector<1x1xf32>
    %eq3A_597 = vector.broadcast %broadcast_in_dim3A_596 : vector<1x1xf32> to vector<128x128xf32>
    %eq3A_598 = arith.cmpf oeq, %select_n3A_578, %eq3A_597 : vector<128x128xf32>
    %jit3A_599 = arith.constant 1073741824 : i32
    %broadcast_in_dim3A_600 = vector.broadcast %jit3A_599 : i32 to vector<128x128xi32>
    %select_n3A_601 = arith.select %eq3A_598, %add3A_42, %broadcast_in_dim3A_600 : vector<128x128xi1>, vector<128x128xi32>
    %reduce_min3A_602 = vector.shape_cast %select_n3A_601 : vector<128x128xi32> to vector<1x128x128xi32>
    %reduce_min3A_603 = arith.constant dense<2147483647> : vector<1xi32>
    %reduce_min3A_604 = vector.multi_reduction <minsi>, %reduce_min3A_602, %reduce_min3A_603 [1, 2] : vector<1x128x128xi32> to vector<1xi32>
    %reduce_min3A_605 = vector.shape_cast %reduce_min3A_604 : vector<1xi32> to vector<1x1x1xi32>
    %reduce_min3A_606 = vector.extract %reduce_min3A_605[0, 0, 0] : i32 from vector<1x1x1xi32>
    %broadcast_in_dim3A_607 = vector.broadcast %reduce_min3A_606 : i32 to vector<1x1xi32>
    %eq3A_608 = vector.broadcast %broadcast_in_dim3A_607 : vector<1x1xi32> to vector<128x128xi32>
    %eq3A_609 = arith.cmpi eq, %add3A_42, %eq3A_608 : vector<128x128xi32>
    %jit3A_610 = arith.constant 0xFF800000 : f32
    %broadcast_in_dim3A_611 = vector.broadcast %jit3A_610 : f32 to vector<128x128xf32>
    %select_n3A_612 = arith.select %eq3A_609, %broadcast_in_dim3A_611, %select_n3A_578 : vector<128x128xi1>, vector<128x128xf32>
    %eq3A_613 = arith.constant 16 : i32
    %eq3A_614 = vector.broadcast %eq3A_613 : i32 to vector<1x32xi32>
    %eq3A_615 = arith.cmpi eq, %iota3A_43, %eq3A_614 : vector<1x32xi32>
    %broadcast_in_dim3A_616 = vector.shape_cast %broadcast_in_dim3A_596 : vector<1x1xf32> to vector<1x1xf32>
    %broadcast_in_dim3A_617 = vector.broadcast %broadcast_in_dim3A_616 : vector<1x1xf32> to vector<1x32xf32>
    %select_n3A_618 = arith.select %eq3A_615, %broadcast_in_dim3A_617, %select_n3A_584 : vector<1x32xi1>, vector<1x32xf32>
    %eq3A_619 = arith.constant 16 : i32
    %eq3A_620 = vector.broadcast %eq3A_619 : i32 to vector<32x1xi32>
    %eq3A_621 = arith.cmpi eq, %iota3A_44, %eq3A_620 : vector<32x1xi32>
    %broadcast_in_dim3A_622 = vector.shape_cast %broadcast_in_dim3A_607 : vector<1x1xi32> to vector<1x1xi32>
    %broadcast_in_dim3A_623 = vector.broadcast %broadcast_in_dim3A_622 : vector<1x1xi32> to vector<32x1xi32>
    %select_n3A_624 = arith.select %eq3A_621, %broadcast_in_dim3A_623, %select_n3A_590 : vector<32x1xi1>, vector<32x1xi32>
    %reduce_max3A_625 = vector.shape_cast %select_n3A_612 : vector<128x128xf32> to vector<1x128x128xf32>
    %reduce_max3A_626 = arith.constant dense<0xFF800000> : vector<1xf32>
    %reduce_max3A_627 = vector.multi_reduction <maximumf>, %reduce_max3A_625, %reduce_max3A_626 [1, 2] : vector<1x128x128xf32> to vector<1xf32>
    %reduce_max3A_628 = vector.shape_cast %reduce_max3A_627 : vector<1xf32> to vector<1x1x1xf32>
    %reduce_max3A_629 = vector.extract %reduce_max3A_628[0, 0, 0] : f32 from vector<1x1x1xf32>
    %broadcast_in_dim3A_630 = vector.broadcast %reduce_max3A_629 : f32 to vector<1x1xf32>
    %eq3A_631 = vector.broadcast %broadcast_in_dim3A_630 : vector<1x1xf32> to vector<128x128xf32>
    %eq3A_632 = arith.cmpf oeq, %select_n3A_612, %eq3A_631 : vector<128x128xf32>
    %jit3A_633 = arith.constant 1073741824 : i32
    %broadcast_in_dim3A_634 = vector.broadcast %jit3A_633 : i32 to vector<128x128xi32>
    %select_n3A_635 = arith.select %eq3A_632, %add3A_42, %broadcast_in_dim3A_634 : vector<128x128xi1>, vector<128x128xi32>
    %reduce_min3A_636 = vector.shape_cast %select_n3A_635 : vector<128x128xi32> to vector<1x128x128xi32>
    %reduce_min3A_637 = arith.constant dense<2147483647> : vector<1xi32>
    %reduce_min3A_638 = vector.multi_reduction <minsi>, %reduce_min3A_636, %reduce_min3A_637 [1, 2] : vector<1x128x128xi32> to vector<1xi32>
    %reduce_min3A_639 = vector.shape_cast %reduce_min3A_638 : vector<1xi32> to vector<1x1x1xi32>
    %reduce_min3A_640 = vector.extract %reduce_min3A_639[0, 0, 0] : i32 from vector<1x1x1xi32>
    %broadcast_in_dim3A_641 = vector.broadcast %reduce_min3A_640 : i32 to vector<1x1xi32>
    %eq3A_642 = vector.broadcast %broadcast_in_dim3A_641 : vector<1x1xi32> to vector<128x128xi32>
    %eq3A_643 = arith.cmpi eq, %add3A_42, %eq3A_642 : vector<128x128xi32>
    %jit3A_644 = arith.constant 0xFF800000 : f32
    %broadcast_in_dim3A_645 = vector.broadcast %jit3A_644 : f32 to vector<128x128xf32>
    %select_n3A_646 = arith.select %eq3A_643, %broadcast_in_dim3A_645, %select_n3A_612 : vector<128x128xi1>, vector<128x128xf32>
    %eq3A_647 = arith.constant 17 : i32
    %eq3A_648 = vector.broadcast %eq3A_647 : i32 to vector<1x32xi32>
    %eq3A_649 = arith.cmpi eq, %iota3A_43, %eq3A_648 : vector<1x32xi32>
    %broadcast_in_dim3A_650 = vector.shape_cast %broadcast_in_dim3A_630 : vector<1x1xf32> to vector<1x1xf32>
    %broadcast_in_dim3A_651 = vector.broadcast %broadcast_in_dim3A_650 : vector<1x1xf32> to vector<1x32xf32>
    %select_n3A_652 = arith.select %eq3A_649, %broadcast_in_dim3A_651, %select_n3A_618 : vector<1x32xi1>, vector<1x32xf32>
    %eq3A_653 = arith.constant 17 : i32
    %eq3A_654 = vector.broadcast %eq3A_653 : i32 to vector<32x1xi32>
    %eq3A_655 = arith.cmpi eq, %iota3A_44, %eq3A_654 : vector<32x1xi32>
    %broadcast_in_dim3A_656 = vector.shape_cast %broadcast_in_dim3A_641 : vector<1x1xi32> to vector<1x1xi32>
    %broadcast_in_dim3A_657 = vector.broadcast %broadcast_in_dim3A_656 : vector<1x1xi32> to vector<32x1xi32>
    %select_n3A_658 = arith.select %eq3A_655, %broadcast_in_dim3A_657, %select_n3A_624 : vector<32x1xi1>, vector<32x1xi32>
    %reduce_max3A_659 = vector.shape_cast %select_n3A_646 : vector<128x128xf32> to vector<1x128x128xf32>
    %reduce_max3A_660 = arith.constant dense<0xFF800000> : vector<1xf32>
    %reduce_max3A_661 = vector.multi_reduction <maximumf>, %reduce_max3A_659, %reduce_max3A_660 [1, 2] : vector<1x128x128xf32> to vector<1xf32>
    %reduce_max3A_662 = vector.shape_cast %reduce_max3A_661 : vector<1xf32> to vector<1x1x1xf32>
    %reduce_max3A_663 = vector.extract %reduce_max3A_662[0, 0, 0] : f32 from vector<1x1x1xf32>
    %broadcast_in_dim3A_664 = vector.broadcast %reduce_max3A_663 : f32 to vector<1x1xf32>
    %eq3A_665 = vector.broadcast %broadcast_in_dim3A_664 : vector<1x1xf32> to vector<128x128xf32>
    %eq3A_666 = arith.cmpf oeq, %select_n3A_646, %eq3A_665 : vector<128x128xf32>
    %jit3A_667 = arith.constant 1073741824 : i32
    %broadcast_in_dim3A_668 = vector.broadcast %jit3A_667 : i32 to vector<128x128xi32>
    %select_n3A_669 = arith.select %eq3A_666, %add3A_42, %broadcast_in_dim3A_668 : vector<128x128xi1>, vector<128x128xi32>
    %reduce_min3A_670 = vector.shape_cast %select_n3A_669 : vector<128x128xi32> to vector<1x128x128xi32>
    %reduce_min3A_671 = arith.constant dense<2147483647> : vector<1xi32>
    %reduce_min3A_672 = vector.multi_reduction <minsi>, %reduce_min3A_670, %reduce_min3A_671 [1, 2] : vector<1x128x128xi32> to vector<1xi32>
    %reduce_min3A_673 = vector.shape_cast %reduce_min3A_672 : vector<1xi32> to vector<1x1x1xi32>
    %reduce_min3A_674 = vector.extract %reduce_min3A_673[0, 0, 0] : i32 from vector<1x1x1xi32>
    %broadcast_in_dim3A_675 = vector.broadcast %reduce_min3A_674 : i32 to vector<1x1xi32>
    %eq3A_676 = vector.broadcast %broadcast_in_dim3A_675 : vector<1x1xi32> to vector<128x128xi32>
    %eq3A_677 = arith.cmpi eq, %add3A_42, %eq3A_676 : vector<128x128xi32>
    %jit3A_678 = arith.constant 0xFF800000 : f32
    %broadcast_in_dim3A_679 = vector.broadcast %jit3A_678 : f32 to vector<128x128xf32>
    %select_n3A_680 = arith.select %eq3A_677, %broadcast_in_dim3A_679, %select_n3A_646 : vector<128x128xi1>, vector<128x128xf32>
    %eq3A_681 = arith.constant 18 : i32
    %eq3A_682 = vector.broadcast %eq3A_681 : i32 to vector<1x32xi32>
    %eq3A_683 = arith.cmpi eq, %iota3A_43, %eq3A_682 : vector<1x32xi32>
    %broadcast_in_dim3A_684 = vector.shape_cast %broadcast_in_dim3A_664 : vector<1x1xf32> to vector<1x1xf32>
    %broadcast_in_dim3A_685 = vector.broadcast %broadcast_in_dim3A_684 : vector<1x1xf32> to vector<1x32xf32>
    %select_n3A_686 = arith.select %eq3A_683, %broadcast_in_dim3A_685, %select_n3A_652 : vector<1x32xi1>, vector<1x32xf32>
    %eq3A_687 = arith.constant 18 : i32
    %eq3A_688 = vector.broadcast %eq3A_687 : i32 to vector<32x1xi32>
    %eq3A_689 = arith.cmpi eq, %iota3A_44, %eq3A_688 : vector<32x1xi32>
    %broadcast_in_dim3A_690 = vector.shape_cast %broadcast_in_dim3A_675 : vector<1x1xi32> to vector<1x1xi32>
    %broadcast_in_dim3A_691 = vector.broadcast %broadcast_in_dim3A_690 : vector<1x1xi32> to vector<32x1xi32>
    %select_n3A_692 = arith.select %eq3A_689, %broadcast_in_dim3A_691, %select_n3A_658 : vector<32x1xi1>, vector<32x1xi32>
    %reduce_max3A_693 = vector.shape_cast %select_n3A_680 : vector<128x128xf32> to vector<1x128x128xf32>
    %reduce_max3A_694 = arith.constant dense<0xFF800000> : vector<1xf32>
    %reduce_max3A_695 = vector.multi_reduction <maximumf>, %reduce_max3A_693, %reduce_max3A_694 [1, 2] : vector<1x128x128xf32> to vector<1xf32>
    %reduce_max3A_696 = vector.shape_cast %reduce_max3A_695 : vector<1xf32> to vector<1x1x1xf32>
    %reduce_max3A_697 = vector.extract %reduce_max3A_696[0, 0, 0] : f32 from vector<1x1x1xf32>
    %broadcast_in_dim3A_698 = vector.broadcast %reduce_max3A_697 : f32 to vector<1x1xf32>
    %eq3A_699 = vector.broadcast %broadcast_in_dim3A_698 : vector<1x1xf32> to vector<128x128xf32>
    %eq3A_700 = arith.cmpf oeq, %select_n3A_680, %eq3A_699 : vector<128x128xf32>
    %jit3A_701 = arith.constant 1073741824 : i32
    %broadcast_in_dim3A_702 = vector.broadcast %jit3A_701 : i32 to vector<128x128xi32>
    %select_n3A_703 = arith.select %eq3A_700, %add3A_42, %broadcast_in_dim3A_702 : vector<128x128xi1>, vector<128x128xi32>
    %reduce_min3A_704 = vector.shape_cast %select_n3A_703 : vector<128x128xi32> to vector<1x128x128xi32>
    %reduce_min3A_705 = arith.constant dense<2147483647> : vector<1xi32>
    %reduce_min3A_706 = vector.multi_reduction <minsi>, %reduce_min3A_704, %reduce_min3A_705 [1, 2] : vector<1x128x128xi32> to vector<1xi32>
    %reduce_min3A_707 = vector.shape_cast %reduce_min3A_706 : vector<1xi32> to vector<1x1x1xi32>
    %reduce_min3A_708 = vector.extract %reduce_min3A_707[0, 0, 0] : i32 from vector<1x1x1xi32>
    %broadcast_in_dim3A_709 = vector.broadcast %reduce_min3A_708 : i32 to vector<1x1xi32>
    %eq3A_710 = vector.broadcast %broadcast_in_dim3A_709 : vector<1x1xi32> to vector<128x128xi32>
    %eq3A_711 = arith.cmpi eq, %add3A_42, %eq3A_710 : vector<128x128xi32>
    %jit3A_712 = arith.constant 0xFF800000 : f32
    %broadcast_in_dim3A_713 = vector.broadcast %jit3A_712 : f32 to vector<128x128xf32>
    %select_n3A_714 = arith.select %eq3A_711, %broadcast_in_dim3A_713, %select_n3A_680 : vector<128x128xi1>, vector<128x128xf32>
    %eq3A_715 = arith.constant 19 : i32
    %eq3A_716 = vector.broadcast %eq3A_715 : i32 to vector<1x32xi32>
    %eq3A_717 = arith.cmpi eq, %iota3A_43, %eq3A_716 : vector<1x32xi32>
    %broadcast_in_dim3A_718 = vector.shape_cast %broadcast_in_dim3A_698 : vector<1x1xf32> to vector<1x1xf32>
    %broadcast_in_dim3A_719 = vector.broadcast %broadcast_in_dim3A_718 : vector<1x1xf32> to vector<1x32xf32>
    %select_n3A_720 = arith.select %eq3A_717, %broadcast_in_dim3A_719, %select_n3A_686 : vector<1x32xi1>, vector<1x32xf32>
    %eq3A_721 = arith.constant 19 : i32
    %eq3A_722 = vector.broadcast %eq3A_721 : i32 to vector<32x1xi32>
    %eq3A_723 = arith.cmpi eq, %iota3A_44, %eq3A_722 : vector<32x1xi32>
    %broadcast_in_dim3A_724 = vector.shape_cast %broadcast_in_dim3A_709 : vector<1x1xi32> to vector<1x1xi32>
    %broadcast_in_dim3A_725 = vector.broadcast %broadcast_in_dim3A_724 : vector<1x1xi32> to vector<32x1xi32>
    %select_n3A_726 = arith.select %eq3A_723, %broadcast_in_dim3A_725, %select_n3A_692 : vector<32x1xi1>, vector<32x1xi32>
    %reduce_max3A_727 = vector.shape_cast %select_n3A_714 : vector<128x128xf32> to vector<1x128x128xf32>
    %reduce_max3A_728 = arith.constant dense<0xFF800000> : vector<1xf32>
    %reduce_max3A_729 = vector.multi_reduction <maximumf>, %reduce_max3A_727, %reduce_max3A_728 [1, 2] : vector<1x128x128xf32> to vector<1xf32>
    %reduce_max3A_730 = vector.shape_cast %reduce_max3A_729 : vector<1xf32> to vector<1x1x1xf32>
    %reduce_max3A_731 = vector.extract %reduce_max3A_730[0, 0, 0] : f32 from vector<1x1x1xf32>
    %broadcast_in_dim3A_732 = vector.broadcast %reduce_max3A_731 : f32 to vector<1x1xf32>
    %eq3A_733 = vector.broadcast %broadcast_in_dim3A_732 : vector<1x1xf32> to vector<128x128xf32>
    %eq3A_734 = arith.cmpf oeq, %select_n3A_714, %eq3A_733 : vector<128x128xf32>
    %jit3A_735 = arith.constant 1073741824 : i32
    %broadcast_in_dim3A_736 = vector.broadcast %jit3A_735 : i32 to vector<128x128xi32>
    %select_n3A_737 = arith.select %eq3A_734, %add3A_42, %broadcast_in_dim3A_736 : vector<128x128xi1>, vector<128x128xi32>
    %reduce_min3A_738 = vector.shape_cast %select_n3A_737 : vector<128x128xi32> to vector<1x128x128xi32>
    %reduce_min3A_739 = arith.constant dense<2147483647> : vector<1xi32>
    %reduce_min3A_740 = vector.multi_reduction <minsi>, %reduce_min3A_738, %reduce_min3A_739 [1, 2] : vector<1x128x128xi32> to vector<1xi32>
    %reduce_min3A_741 = vector.shape_cast %reduce_min3A_740 : vector<1xi32> to vector<1x1x1xi32>
    %reduce_min3A_742 = vector.extract %reduce_min3A_741[0, 0, 0] : i32 from vector<1x1x1xi32>
    %broadcast_in_dim3A_743 = vector.broadcast %reduce_min3A_742 : i32 to vector<1x1xi32>
    %eq3A_744 = vector.broadcast %broadcast_in_dim3A_743 : vector<1x1xi32> to vector<128x128xi32>
    %eq3A_745 = arith.cmpi eq, %add3A_42, %eq3A_744 : vector<128x128xi32>
    %jit3A_746 = arith.constant 0xFF800000 : f32
    %broadcast_in_dim3A_747 = vector.broadcast %jit3A_746 : f32 to vector<128x128xf32>
    %select_n3A_748 = arith.select %eq3A_745, %broadcast_in_dim3A_747, %select_n3A_714 : vector<128x128xi1>, vector<128x128xf32>
    %eq3A_749 = arith.constant 20 : i32
    %eq3A_750 = vector.broadcast %eq3A_749 : i32 to vector<1x32xi32>
    %eq3A_751 = arith.cmpi eq, %iota3A_43, %eq3A_750 : vector<1x32xi32>
    %broadcast_in_dim3A_752 = vector.shape_cast %broadcast_in_dim3A_732 : vector<1x1xf32> to vector<1x1xf32>
    %broadcast_in_dim3A_753 = vector.broadcast %broadcast_in_dim3A_752 : vector<1x1xf32> to vector<1x32xf32>
    %select_n3A_754 = arith.select %eq3A_751, %broadcast_in_dim3A_753, %select_n3A_720 : vector<1x32xi1>, vector<1x32xf32>
    %eq3A_755 = arith.constant 20 : i32
    %eq3A_756 = vector.broadcast %eq3A_755 : i32 to vector<32x1xi32>
    %eq3A_757 = arith.cmpi eq, %iota3A_44, %eq3A_756 : vector<32x1xi32>
    %broadcast_in_dim3A_758 = vector.shape_cast %broadcast_in_dim3A_743 : vector<1x1xi32> to vector<1x1xi32>
    %broadcast_in_dim3A_759 = vector.broadcast %broadcast_in_dim3A_758 : vector<1x1xi32> to vector<32x1xi32>
    %select_n3A_760 = arith.select %eq3A_757, %broadcast_in_dim3A_759, %select_n3A_726 : vector<32x1xi1>, vector<32x1xi32>
    %reduce_max3A_761 = vector.shape_cast %select_n3A_748 : vector<128x128xf32> to vector<1x128x128xf32>
    %reduce_max3A_762 = arith.constant dense<0xFF800000> : vector<1xf32>
    %reduce_max3A_763 = vector.multi_reduction <maximumf>, %reduce_max3A_761, %reduce_max3A_762 [1, 2] : vector<1x128x128xf32> to vector<1xf32>
    %reduce_max3A_764 = vector.shape_cast %reduce_max3A_763 : vector<1xf32> to vector<1x1x1xf32>
    %reduce_max3A_765 = vector.extract %reduce_max3A_764[0, 0, 0] : f32 from vector<1x1x1xf32>
    %broadcast_in_dim3A_766 = vector.broadcast %reduce_max3A_765 : f32 to vector<1x1xf32>
    %eq3A_767 = vector.broadcast %broadcast_in_dim3A_766 : vector<1x1xf32> to vector<128x128xf32>
    %eq3A_768 = arith.cmpf oeq, %select_n3A_748, %eq3A_767 : vector<128x128xf32>
    %jit3A_769 = arith.constant 1073741824 : i32
    %broadcast_in_dim3A_770 = vector.broadcast %jit3A_769 : i32 to vector<128x128xi32>
    %select_n3A_771 = arith.select %eq3A_768, %add3A_42, %broadcast_in_dim3A_770 : vector<128x128xi1>, vector<128x128xi32>
    %reduce_min3A_772 = vector.shape_cast %select_n3A_771 : vector<128x128xi32> to vector<1x128x128xi32>
    %reduce_min3A_773 = arith.constant dense<2147483647> : vector<1xi32>
    %reduce_min3A_774 = vector.multi_reduction <minsi>, %reduce_min3A_772, %reduce_min3A_773 [1, 2] : vector<1x128x128xi32> to vector<1xi32>
    %reduce_min3A_775 = vector.shape_cast %reduce_min3A_774 : vector<1xi32> to vector<1x1x1xi32>
    %reduce_min3A_776 = vector.extract %reduce_min3A_775[0, 0, 0] : i32 from vector<1x1x1xi32>
    %broadcast_in_dim3A_777 = vector.broadcast %reduce_min3A_776 : i32 to vector<1x1xi32>
    %eq3A_778 = vector.broadcast %broadcast_in_dim3A_777 : vector<1x1xi32> to vector<128x128xi32>
    %eq3A_779 = arith.cmpi eq, %add3A_42, %eq3A_778 : vector<128x128xi32>
    %jit3A_780 = arith.constant 0xFF800000 : f32
    %broadcast_in_dim3A_781 = vector.broadcast %jit3A_780 : f32 to vector<128x128xf32>
    %select_n3A_782 = arith.select %eq3A_779, %broadcast_in_dim3A_781, %select_n3A_748 : vector<128x128xi1>, vector<128x128xf32>
    %eq3A_783 = arith.constant 21 : i32
    %eq3A_784 = vector.broadcast %eq3A_783 : i32 to vector<1x32xi32>
    %eq3A_785 = arith.cmpi eq, %iota3A_43, %eq3A_784 : vector<1x32xi32>
    %broadcast_in_dim3A_786 = vector.shape_cast %broadcast_in_dim3A_766 : vector<1x1xf32> to vector<1x1xf32>
    %broadcast_in_dim3A_787 = vector.broadcast %broadcast_in_dim3A_786 : vector<1x1xf32> to vector<1x32xf32>
    %select_n3A_788 = arith.select %eq3A_785, %broadcast_in_dim3A_787, %select_n3A_754 : vector<1x32xi1>, vector<1x32xf32>
    %eq3A_789 = arith.constant 21 : i32
    %eq3A_790 = vector.broadcast %eq3A_789 : i32 to vector<32x1xi32>
    %eq3A_791 = arith.cmpi eq, %iota3A_44, %eq3A_790 : vector<32x1xi32>
    %broadcast_in_dim3A_792 = vector.shape_cast %broadcast_in_dim3A_777 : vector<1x1xi32> to vector<1x1xi32>
    %broadcast_in_dim3A_793 = vector.broadcast %broadcast_in_dim3A_792 : vector<1x1xi32> to vector<32x1xi32>
    %select_n3A_794 = arith.select %eq3A_791, %broadcast_in_dim3A_793, %select_n3A_760 : vector<32x1xi1>, vector<32x1xi32>
    %reduce_max3A_795 = vector.shape_cast %select_n3A_782 : vector<128x128xf32> to vector<1x128x128xf32>
    %reduce_max3A_796 = arith.constant dense<0xFF800000> : vector<1xf32>
    %reduce_max3A_797 = vector.multi_reduction <maximumf>, %reduce_max3A_795, %reduce_max3A_796 [1, 2] : vector<1x128x128xf32> to vector<1xf32>
    %reduce_max3A_798 = vector.shape_cast %reduce_max3A_797 : vector<1xf32> to vector<1x1x1xf32>
    %reduce_max3A_799 = vector.extract %reduce_max3A_798[0, 0, 0] : f32 from vector<1x1x1xf32>
    %broadcast_in_dim3A_800 = vector.broadcast %reduce_max3A_799 : f32 to vector<1x1xf32>
    %eq3A_801 = vector.broadcast %broadcast_in_dim3A_800 : vector<1x1xf32> to vector<128x128xf32>
    %eq3A_802 = arith.cmpf oeq, %select_n3A_782, %eq3A_801 : vector<128x128xf32>
    %jit3A_803 = arith.constant 1073741824 : i32
    %broadcast_in_dim3A_804 = vector.broadcast %jit3A_803 : i32 to vector<128x128xi32>
    %select_n3A_805 = arith.select %eq3A_802, %add3A_42, %broadcast_in_dim3A_804 : vector<128x128xi1>, vector<128x128xi32>
    %reduce_min3A_806 = vector.shape_cast %select_n3A_805 : vector<128x128xi32> to vector<1x128x128xi32>
    %reduce_min3A_807 = arith.constant dense<2147483647> : vector<1xi32>
    %reduce_min3A_808 = vector.multi_reduction <minsi>, %reduce_min3A_806, %reduce_min3A_807 [1, 2] : vector<1x128x128xi32> to vector<1xi32>
    %reduce_min3A_809 = vector.shape_cast %reduce_min3A_808 : vector<1xi32> to vector<1x1x1xi32>
    %reduce_min3A_810 = vector.extract %reduce_min3A_809[0, 0, 0] : i32 from vector<1x1x1xi32>
    %broadcast_in_dim3A_811 = vector.broadcast %reduce_min3A_810 : i32 to vector<1x1xi32>
    %eq3A_812 = vector.broadcast %broadcast_in_dim3A_811 : vector<1x1xi32> to vector<128x128xi32>
    %eq3A_813 = arith.cmpi eq, %add3A_42, %eq3A_812 : vector<128x128xi32>
    %jit3A_814 = arith.constant 0xFF800000 : f32
    %broadcast_in_dim3A_815 = vector.broadcast %jit3A_814 : f32 to vector<128x128xf32>
    %select_n3A_816 = arith.select %eq3A_813, %broadcast_in_dim3A_815, %select_n3A_782 : vector<128x128xi1>, vector<128x128xf32>
    %eq3A_817 = arith.constant 22 : i32
    %eq3A_818 = vector.broadcast %eq3A_817 : i32 to vector<1x32xi32>
    %eq3A_819 = arith.cmpi eq, %iota3A_43, %eq3A_818 : vector<1x32xi32>
    %broadcast_in_dim3A_820 = vector.shape_cast %broadcast_in_dim3A_800 : vector<1x1xf32> to vector<1x1xf32>
    %broadcast_in_dim3A_821 = vector.broadcast %broadcast_in_dim3A_820 : vector<1x1xf32> to vector<1x32xf32>
    %select_n3A_822 = arith.select %eq3A_819, %broadcast_in_dim3A_821, %select_n3A_788 : vector<1x32xi1>, vector<1x32xf32>
    %eq3A_823 = arith.constant 22 : i32
    %eq3A_824 = vector.broadcast %eq3A_823 : i32 to vector<32x1xi32>
    %eq3A_825 = arith.cmpi eq, %iota3A_44, %eq3A_824 : vector<32x1xi32>
    %broadcast_in_dim3A_826 = vector.shape_cast %broadcast_in_dim3A_811 : vector<1x1xi32> to vector<1x1xi32>
    %broadcast_in_dim3A_827 = vector.broadcast %broadcast_in_dim3A_826 : vector<1x1xi32> to vector<32x1xi32>
    %select_n3A_828 = arith.select %eq3A_825, %broadcast_in_dim3A_827, %select_n3A_794 : vector<32x1xi1>, vector<32x1xi32>
    %reduce_max3A_829 = vector.shape_cast %select_n3A_816 : vector<128x128xf32> to vector<1x128x128xf32>
    %reduce_max3A_830 = arith.constant dense<0xFF800000> : vector<1xf32>
    %reduce_max3A_831 = vector.multi_reduction <maximumf>, %reduce_max3A_829, %reduce_max3A_830 [1, 2] : vector<1x128x128xf32> to vector<1xf32>
    %reduce_max3A_832 = vector.shape_cast %reduce_max3A_831 : vector<1xf32> to vector<1x1x1xf32>
    %reduce_max3A_833 = vector.extract %reduce_max3A_832[0, 0, 0] : f32 from vector<1x1x1xf32>
    %broadcast_in_dim3A_834 = vector.broadcast %reduce_max3A_833 : f32 to vector<1x1xf32>
    %eq3A_835 = vector.broadcast %broadcast_in_dim3A_834 : vector<1x1xf32> to vector<128x128xf32>
    %eq3A_836 = arith.cmpf oeq, %select_n3A_816, %eq3A_835 : vector<128x128xf32>
    %jit3A_837 = arith.constant 1073741824 : i32
    %broadcast_in_dim3A_838 = vector.broadcast %jit3A_837 : i32 to vector<128x128xi32>
    %select_n3A_839 = arith.select %eq3A_836, %add3A_42, %broadcast_in_dim3A_838 : vector<128x128xi1>, vector<128x128xi32>
    %reduce_min3A_840 = vector.shape_cast %select_n3A_839 : vector<128x128xi32> to vector<1x128x128xi32>
    %reduce_min3A_841 = arith.constant dense<2147483647> : vector<1xi32>
    %reduce_min3A_842 = vector.multi_reduction <minsi>, %reduce_min3A_840, %reduce_min3A_841 [1, 2] : vector<1x128x128xi32> to vector<1xi32>
    %reduce_min3A_843 = vector.shape_cast %reduce_min3A_842 : vector<1xi32> to vector<1x1x1xi32>
    %reduce_min3A_844 = vector.extract %reduce_min3A_843[0, 0, 0] : i32 from vector<1x1x1xi32>
    %broadcast_in_dim3A_845 = vector.broadcast %reduce_min3A_844 : i32 to vector<1x1xi32>
    %eq3A_846 = vector.broadcast %broadcast_in_dim3A_845 : vector<1x1xi32> to vector<128x128xi32>
    %eq3A_847 = arith.cmpi eq, %add3A_42, %eq3A_846 : vector<128x128xi32>
    %jit3A_848 = arith.constant 0xFF800000 : f32
    %broadcast_in_dim3A_849 = vector.broadcast %jit3A_848 : f32 to vector<128x128xf32>
    %select_n3A_850 = arith.select %eq3A_847, %broadcast_in_dim3A_849, %select_n3A_816 : vector<128x128xi1>, vector<128x128xf32>
    %eq3A_851 = arith.constant 23 : i32
    %eq3A_852 = vector.broadcast %eq3A_851 : i32 to vector<1x32xi32>
    %eq3A_853 = arith.cmpi eq, %iota3A_43, %eq3A_852 : vector<1x32xi32>
    %broadcast_in_dim3A_854 = vector.shape_cast %broadcast_in_dim3A_834 : vector<1x1xf32> to vector<1x1xf32>
    %broadcast_in_dim3A_855 = vector.broadcast %broadcast_in_dim3A_854 : vector<1x1xf32> to vector<1x32xf32>
    %select_n3A_856 = arith.select %eq3A_853, %broadcast_in_dim3A_855, %select_n3A_822 : vector<1x32xi1>, vector<1x32xf32>
    %eq3A_857 = arith.constant 23 : i32
    %eq3A_858 = vector.broadcast %eq3A_857 : i32 to vector<32x1xi32>
    %eq3A_859 = arith.cmpi eq, %iota3A_44, %eq3A_858 : vector<32x1xi32>
    %broadcast_in_dim3A_860 = vector.shape_cast %broadcast_in_dim3A_845 : vector<1x1xi32> to vector<1x1xi32>
    %broadcast_in_dim3A_861 = vector.broadcast %broadcast_in_dim3A_860 : vector<1x1xi32> to vector<32x1xi32>
    %select_n3A_862 = arith.select %eq3A_859, %broadcast_in_dim3A_861, %select_n3A_828 : vector<32x1xi1>, vector<32x1xi32>
    %reduce_max3A_863 = vector.shape_cast %select_n3A_850 : vector<128x128xf32> to vector<1x128x128xf32>
    %reduce_max3A_864 = arith.constant dense<0xFF800000> : vector<1xf32>
    %reduce_max3A_865 = vector.multi_reduction <maximumf>, %reduce_max3A_863, %reduce_max3A_864 [1, 2] : vector<1x128x128xf32> to vector<1xf32>
    %reduce_max3A_866 = vector.shape_cast %reduce_max3A_865 : vector<1xf32> to vector<1x1x1xf32>
    %reduce_max3A_867 = vector.extract %reduce_max3A_866[0, 0, 0] : f32 from vector<1x1x1xf32>
    %broadcast_in_dim3A_868 = vector.broadcast %reduce_max3A_867 : f32 to vector<1x1xf32>
    %eq3A_869 = vector.broadcast %broadcast_in_dim3A_868 : vector<1x1xf32> to vector<128x128xf32>
    %eq3A_870 = arith.cmpf oeq, %select_n3A_850, %eq3A_869 : vector<128x128xf32>
    %jit3A_871 = arith.constant 1073741824 : i32
    %broadcast_in_dim3A_872 = vector.broadcast %jit3A_871 : i32 to vector<128x128xi32>
    %select_n3A_873 = arith.select %eq3A_870, %add3A_42, %broadcast_in_dim3A_872 : vector<128x128xi1>, vector<128x128xi32>
    %reduce_min3A_874 = vector.shape_cast %select_n3A_873 : vector<128x128xi32> to vector<1x128x128xi32>
    %reduce_min3A_875 = arith.constant dense<2147483647> : vector<1xi32>
    %reduce_min3A_876 = vector.multi_reduction <minsi>, %reduce_min3A_874, %reduce_min3A_875 [1, 2] : vector<1x128x128xi32> to vector<1xi32>
    %reduce_min3A_877 = vector.shape_cast %reduce_min3A_876 : vector<1xi32> to vector<1x1x1xi32>
    %reduce_min3A_878 = vector.extract %reduce_min3A_877[0, 0, 0] : i32 from vector<1x1x1xi32>
    %broadcast_in_dim3A_879 = vector.broadcast %reduce_min3A_878 : i32 to vector<1x1xi32>
    %eq3A_880 = vector.broadcast %broadcast_in_dim3A_879 : vector<1x1xi32> to vector<128x128xi32>
    %eq3A_881 = arith.cmpi eq, %add3A_42, %eq3A_880 : vector<128x128xi32>
    %jit3A_882 = arith.constant 0xFF800000 : f32
    %broadcast_in_dim3A_883 = vector.broadcast %jit3A_882 : f32 to vector<128x128xf32>
    %select_n3A_884 = arith.select %eq3A_881, %broadcast_in_dim3A_883, %select_n3A_850 : vector<128x128xi1>, vector<128x128xf32>
    %eq3A_885 = arith.constant 24 : i32
    %eq3A_886 = vector.broadcast %eq3A_885 : i32 to vector<1x32xi32>
    %eq3A_887 = arith.cmpi eq, %iota3A_43, %eq3A_886 : vector<1x32xi32>
    %broadcast_in_dim3A_888 = vector.shape_cast %broadcast_in_dim3A_868 : vector<1x1xf32> to vector<1x1xf32>
    %broadcast_in_dim3A_889 = vector.broadcast %broadcast_in_dim3A_888 : vector<1x1xf32> to vector<1x32xf32>
    %select_n3A_890 = arith.select %eq3A_887, %broadcast_in_dim3A_889, %select_n3A_856 : vector<1x32xi1>, vector<1x32xf32>
    %eq3A_891 = arith.constant 24 : i32
    %eq3A_892 = vector.broadcast %eq3A_891 : i32 to vector<32x1xi32>
    %eq3A_893 = arith.cmpi eq, %iota3A_44, %eq3A_892 : vector<32x1xi32>
    %broadcast_in_dim3A_894 = vector.shape_cast %broadcast_in_dim3A_879 : vector<1x1xi32> to vector<1x1xi32>
    %broadcast_in_dim3A_895 = vector.broadcast %broadcast_in_dim3A_894 : vector<1x1xi32> to vector<32x1xi32>
    %select_n3A_896 = arith.select %eq3A_893, %broadcast_in_dim3A_895, %select_n3A_862 : vector<32x1xi1>, vector<32x1xi32>
    %reduce_max3A_897 = vector.shape_cast %select_n3A_884 : vector<128x128xf32> to vector<1x128x128xf32>
    %reduce_max3A_898 = arith.constant dense<0xFF800000> : vector<1xf32>
    %reduce_max3A_899 = vector.multi_reduction <maximumf>, %reduce_max3A_897, %reduce_max3A_898 [1, 2] : vector<1x128x128xf32> to vector<1xf32>
    %reduce_max3A_900 = vector.shape_cast %reduce_max3A_899 : vector<1xf32> to vector<1x1x1xf32>
    %reduce_max3A_901 = vector.extract %reduce_max3A_900[0, 0, 0] : f32 from vector<1x1x1xf32>
    %broadcast_in_dim3A_902 = vector.broadcast %reduce_max3A_901 : f32 to vector<1x1xf32>
    %eq3A_903 = vector.broadcast %broadcast_in_dim3A_902 : vector<1x1xf32> to vector<128x128xf32>
    %eq3A_904 = arith.cmpf oeq, %select_n3A_884, %eq3A_903 : vector<128x128xf32>
    %jit3A_905 = arith.constant 1073741824 : i32
    %broadcast_in_dim3A_906 = vector.broadcast %jit3A_905 : i32 to vector<128x128xi32>
    %select_n3A_907 = arith.select %eq3A_904, %add3A_42, %broadcast_in_dim3A_906 : vector<128x128xi1>, vector<128x128xi32>
    %reduce_min3A_908 = vector.shape_cast %select_n3A_907 : vector<128x128xi32> to vector<1x128x128xi32>
    %reduce_min3A_909 = arith.constant dense<2147483647> : vector<1xi32>
    %reduce_min3A_910 = vector.multi_reduction <minsi>, %reduce_min3A_908, %reduce_min3A_909 [1, 2] : vector<1x128x128xi32> to vector<1xi32>
    %reduce_min3A_911 = vector.shape_cast %reduce_min3A_910 : vector<1xi32> to vector<1x1x1xi32>
    %reduce_min3A_912 = vector.extract %reduce_min3A_911[0, 0, 0] : i32 from vector<1x1x1xi32>
    %broadcast_in_dim3A_913 = vector.broadcast %reduce_min3A_912 : i32 to vector<1x1xi32>
    %eq3A_914 = vector.broadcast %broadcast_in_dim3A_913 : vector<1x1xi32> to vector<128x128xi32>
    %eq3A_915 = arith.cmpi eq, %add3A_42, %eq3A_914 : vector<128x128xi32>
    %jit3A_916 = arith.constant 0xFF800000 : f32
    %broadcast_in_dim3A_917 = vector.broadcast %jit3A_916 : f32 to vector<128x128xf32>
    %select_n3A_918 = arith.select %eq3A_915, %broadcast_in_dim3A_917, %select_n3A_884 : vector<128x128xi1>, vector<128x128xf32>
    %eq3A_919 = arith.constant 25 : i32
    %eq3A_920 = vector.broadcast %eq3A_919 : i32 to vector<1x32xi32>
    %eq3A_921 = arith.cmpi eq, %iota3A_43, %eq3A_920 : vector<1x32xi32>
    %broadcast_in_dim3A_922 = vector.shape_cast %broadcast_in_dim3A_902 : vector<1x1xf32> to vector<1x1xf32>
    %broadcast_in_dim3A_923 = vector.broadcast %broadcast_in_dim3A_922 : vector<1x1xf32> to vector<1x32xf32>
    %select_n3A_924 = arith.select %eq3A_921, %broadcast_in_dim3A_923, %select_n3A_890 : vector<1x32xi1>, vector<1x32xf32>
    %eq3A_925 = arith.constant 25 : i32
    %eq3A_926 = vector.broadcast %eq3A_925 : i32 to vector<32x1xi32>
    %eq3A_927 = arith.cmpi eq, %iota3A_44, %eq3A_926 : vector<32x1xi32>
    %broadcast_in_dim3A_928 = vector.shape_cast %broadcast_in_dim3A_913 : vector<1x1xi32> to vector<1x1xi32>
    %broadcast_in_dim3A_929 = vector.broadcast %broadcast_in_dim3A_928 : vector<1x1xi32> to vector<32x1xi32>
    %select_n3A_930 = arith.select %eq3A_927, %broadcast_in_dim3A_929, %select_n3A_896 : vector<32x1xi1>, vector<32x1xi32>
    %reduce_max3A_931 = vector.shape_cast %select_n3A_918 : vector<128x128xf32> to vector<1x128x128xf32>
    %reduce_max3A_932 = arith.constant dense<0xFF800000> : vector<1xf32>
    %reduce_max3A_933 = vector.multi_reduction <maximumf>, %reduce_max3A_931, %reduce_max3A_932 [1, 2] : vector<1x128x128xf32> to vector<1xf32>
    %reduce_max3A_934 = vector.shape_cast %reduce_max3A_933 : vector<1xf32> to vector<1x1x1xf32>
    %reduce_max3A_935 = vector.extract %reduce_max3A_934[0, 0, 0] : f32 from vector<1x1x1xf32>
    %broadcast_in_dim3A_936 = vector.broadcast %reduce_max3A_935 : f32 to vector<1x1xf32>
    %eq3A_937 = vector.broadcast %broadcast_in_dim3A_936 : vector<1x1xf32> to vector<128x128xf32>
    %eq3A_938 = arith.cmpf oeq, %select_n3A_918, %eq3A_937 : vector<128x128xf32>
    %jit3A_939 = arith.constant 1073741824 : i32
    %broadcast_in_dim3A_940 = vector.broadcast %jit3A_939 : i32 to vector<128x128xi32>
    %select_n3A_941 = arith.select %eq3A_938, %add3A_42, %broadcast_in_dim3A_940 : vector<128x128xi1>, vector<128x128xi32>
    %reduce_min3A_942 = vector.shape_cast %select_n3A_941 : vector<128x128xi32> to vector<1x128x128xi32>
    %reduce_min3A_943 = arith.constant dense<2147483647> : vector<1xi32>
    %reduce_min3A_944 = vector.multi_reduction <minsi>, %reduce_min3A_942, %reduce_min3A_943 [1, 2] : vector<1x128x128xi32> to vector<1xi32>
    %reduce_min3A_945 = vector.shape_cast %reduce_min3A_944 : vector<1xi32> to vector<1x1x1xi32>
    %reduce_min3A_946 = vector.extract %reduce_min3A_945[0, 0, 0] : i32 from vector<1x1x1xi32>
    %broadcast_in_dim3A_947 = vector.broadcast %reduce_min3A_946 : i32 to vector<1x1xi32>
    %eq3A_948 = vector.broadcast %broadcast_in_dim3A_947 : vector<1x1xi32> to vector<128x128xi32>
    %eq3A_949 = arith.cmpi eq, %add3A_42, %eq3A_948 : vector<128x128xi32>
    %jit3A_950 = arith.constant 0xFF800000 : f32
    %broadcast_in_dim3A_951 = vector.broadcast %jit3A_950 : f32 to vector<128x128xf32>
    %select_n3A_952 = arith.select %eq3A_949, %broadcast_in_dim3A_951, %select_n3A_918 : vector<128x128xi1>, vector<128x128xf32>
    %eq3A_953 = arith.constant 26 : i32
    %eq3A_954 = vector.broadcast %eq3A_953 : i32 to vector<1x32xi32>
    %eq3A_955 = arith.cmpi eq, %iota3A_43, %eq3A_954 : vector<1x32xi32>
    %broadcast_in_dim3A_956 = vector.shape_cast %broadcast_in_dim3A_936 : vector<1x1xf32> to vector<1x1xf32>
    %broadcast_in_dim3A_957 = vector.broadcast %broadcast_in_dim3A_956 : vector<1x1xf32> to vector<1x32xf32>
    %select_n3A_958 = arith.select %eq3A_955, %broadcast_in_dim3A_957, %select_n3A_924 : vector<1x32xi1>, vector<1x32xf32>
    %eq3A_959 = arith.constant 26 : i32
    %eq3A_960 = vector.broadcast %eq3A_959 : i32 to vector<32x1xi32>
    %eq3A_961 = arith.cmpi eq, %iota3A_44, %eq3A_960 : vector<32x1xi32>
    %broadcast_in_dim3A_962 = vector.shape_cast %broadcast_in_dim3A_947 : vector<1x1xi32> to vector<1x1xi32>
    %broadcast_in_dim3A_963 = vector.broadcast %broadcast_in_dim3A_962 : vector<1x1xi32> to vector<32x1xi32>
    %select_n3A_964 = arith.select %eq3A_961, %broadcast_in_dim3A_963, %select_n3A_930 : vector<32x1xi1>, vector<32x1xi32>
    %reduce_max3A_965 = vector.shape_cast %select_n3A_952 : vector<128x128xf32> to vector<1x128x128xf32>
    %reduce_max3A_966 = arith.constant dense<0xFF800000> : vector<1xf32>
    %reduce_max3A_967 = vector.multi_reduction <maximumf>, %reduce_max3A_965, %reduce_max3A_966 [1, 2] : vector<1x128x128xf32> to vector<1xf32>
    %reduce_max3A_968 = vector.shape_cast %reduce_max3A_967 : vector<1xf32> to vector<1x1x1xf32>
    %reduce_max3A_969 = vector.extract %reduce_max3A_968[0, 0, 0] : f32 from vector<1x1x1xf32>
    %broadcast_in_dim3A_970 = vector.broadcast %reduce_max3A_969 : f32 to vector<1x1xf32>
    %eq3A_971 = vector.broadcast %broadcast_in_dim3A_970 : vector<1x1xf32> to vector<128x128xf32>
    %eq3A_972 = arith.cmpf oeq, %select_n3A_952, %eq3A_971 : vector<128x128xf32>
    %jit3A_973 = arith.constant 1073741824 : i32
    %broadcast_in_dim3A_974 = vector.broadcast %jit3A_973 : i32 to vector<128x128xi32>
    %select_n3A_975 = arith.select %eq3A_972, %add3A_42, %broadcast_in_dim3A_974 : vector<128x128xi1>, vector<128x128xi32>
    %reduce_min3A_976 = vector.shape_cast %select_n3A_975 : vector<128x128xi32> to vector<1x128x128xi32>
    %reduce_min3A_977 = arith.constant dense<2147483647> : vector<1xi32>
    %reduce_min3A_978 = vector.multi_reduction <minsi>, %reduce_min3A_976, %reduce_min3A_977 [1, 2] : vector<1x128x128xi32> to vector<1xi32>
    %reduce_min3A_979 = vector.shape_cast %reduce_min3A_978 : vector<1xi32> to vector<1x1x1xi32>
    %reduce_min3A_980 = vector.extract %reduce_min3A_979[0, 0, 0] : i32 from vector<1x1x1xi32>
    %broadcast_in_dim3A_981 = vector.broadcast %reduce_min3A_980 : i32 to vector<1x1xi32>
    %eq3A_982 = vector.broadcast %broadcast_in_dim3A_981 : vector<1x1xi32> to vector<128x128xi32>
    %eq3A_983 = arith.cmpi eq, %add3A_42, %eq3A_982 : vector<128x128xi32>
    %jit3A_984 = arith.constant 0xFF800000 : f32
    %broadcast_in_dim3A_985 = vector.broadcast %jit3A_984 : f32 to vector<128x128xf32>
    %select_n3A_986 = arith.select %eq3A_983, %broadcast_in_dim3A_985, %select_n3A_952 : vector<128x128xi1>, vector<128x128xf32>
    %eq3A_987 = arith.constant 27 : i32
    %eq3A_988 = vector.broadcast %eq3A_987 : i32 to vector<1x32xi32>
    %eq3A_989 = arith.cmpi eq, %iota3A_43, %eq3A_988 : vector<1x32xi32>
    %broadcast_in_dim3A_990 = vector.shape_cast %broadcast_in_dim3A_970 : vector<1x1xf32> to vector<1x1xf32>
    %broadcast_in_dim3A_991 = vector.broadcast %broadcast_in_dim3A_990 : vector<1x1xf32> to vector<1x32xf32>
    %select_n3A_992 = arith.select %eq3A_989, %broadcast_in_dim3A_991, %select_n3A_958 : vector<1x32xi1>, vector<1x32xf32>
    %eq3A_993 = arith.constant 27 : i32
    %eq3A_994 = vector.broadcast %eq3A_993 : i32 to vector<32x1xi32>
    %eq3A_995 = arith.cmpi eq, %iota3A_44, %eq3A_994 : vector<32x1xi32>
    %broadcast_in_dim3A_996 = vector.shape_cast %broadcast_in_dim3A_981 : vector<1x1xi32> to vector<1x1xi32>
    %broadcast_in_dim3A_997 = vector.broadcast %broadcast_in_dim3A_996 : vector<1x1xi32> to vector<32x1xi32>
    %select_n3A_998 = arith.select %eq3A_995, %broadcast_in_dim3A_997, %select_n3A_964 : vector<32x1xi1>, vector<32x1xi32>
    %reduce_max3A_999 = vector.shape_cast %select_n3A_986 : vector<128x128xf32> to vector<1x128x128xf32>
    %reduce_max3A_1000 = arith.constant dense<0xFF800000> : vector<1xf32>
    %reduce_max3A_1001 = vector.multi_reduction <maximumf>, %reduce_max3A_999, %reduce_max3A_1000 [1, 2] : vector<1x128x128xf32> to vector<1xf32>
    %reduce_max3A_1002 = vector.shape_cast %reduce_max3A_1001 : vector<1xf32> to vector<1x1x1xf32>
    %reduce_max3A_1003 = vector.extract %reduce_max3A_1002[0, 0, 0] : f32 from vector<1x1x1xf32>
    %broadcast_in_dim3A_1004 = vector.broadcast %reduce_max3A_1003 : f32 to vector<1x1xf32>
    %eq3A_1005 = vector.broadcast %broadcast_in_dim3A_1004 : vector<1x1xf32> to vector<128x128xf32>
    %eq3A_1006 = arith.cmpf oeq, %select_n3A_986, %eq3A_1005 : vector<128x128xf32>
    %jit3A_1007 = arith.constant 1073741824 : i32
    %broadcast_in_dim3A_1008 = vector.broadcast %jit3A_1007 : i32 to vector<128x128xi32>
    %select_n3A_1009 = arith.select %eq3A_1006, %add3A_42, %broadcast_in_dim3A_1008 : vector<128x128xi1>, vector<128x128xi32>
    %reduce_min3A_1010 = vector.shape_cast %select_n3A_1009 : vector<128x128xi32> to vector<1x128x128xi32>
    %reduce_min3A_1011 = arith.constant dense<2147483647> : vector<1xi32>
    %reduce_min3A_1012 = vector.multi_reduction <minsi>, %reduce_min3A_1010, %reduce_min3A_1011 [1, 2] : vector<1x128x128xi32> to vector<1xi32>
    %reduce_min3A_1013 = vector.shape_cast %reduce_min3A_1012 : vector<1xi32> to vector<1x1x1xi32>
    %reduce_min3A_1014 = vector.extract %reduce_min3A_1013[0, 0, 0] : i32 from vector<1x1x1xi32>
    %broadcast_in_dim3A_1015 = vector.broadcast %reduce_min3A_1014 : i32 to vector<1x1xi32>
    %eq3A_1016 = vector.broadcast %broadcast_in_dim3A_1015 : vector<1x1xi32> to vector<128x128xi32>
    %eq3A_1017 = arith.cmpi eq, %add3A_42, %eq3A_1016 : vector<128x128xi32>
    %jit3A_1018 = arith.constant 0xFF800000 : f32
    %broadcast_in_dim3A_1019 = vector.broadcast %jit3A_1018 : f32 to vector<128x128xf32>
    %select_n3A_1020 = arith.select %eq3A_1017, %broadcast_in_dim3A_1019, %select_n3A_986 : vector<128x128xi1>, vector<128x128xf32>
    %eq3A_1021 = arith.constant 28 : i32
    %eq3A_1022 = vector.broadcast %eq3A_1021 : i32 to vector<1x32xi32>
    %eq3A_1023 = arith.cmpi eq, %iota3A_43, %eq3A_1022 : vector<1x32xi32>
    %broadcast_in_dim3A_1024 = vector.shape_cast %broadcast_in_dim3A_1004 : vector<1x1xf32> to vector<1x1xf32>
    %broadcast_in_dim3A_1025 = vector.broadcast %broadcast_in_dim3A_1024 : vector<1x1xf32> to vector<1x32xf32>
    %select_n3A_1026 = arith.select %eq3A_1023, %broadcast_in_dim3A_1025, %select_n3A_992 : vector<1x32xi1>, vector<1x32xf32>
    %eq3A_1027 = arith.constant 28 : i32
    %eq3A_1028 = vector.broadcast %eq3A_1027 : i32 to vector<32x1xi32>
    %eq3A_1029 = arith.cmpi eq, %iota3A_44, %eq3A_1028 : vector<32x1xi32>
    %broadcast_in_dim3A_1030 = vector.shape_cast %broadcast_in_dim3A_1015 : vector<1x1xi32> to vector<1x1xi32>
    %broadcast_in_dim3A_1031 = vector.broadcast %broadcast_in_dim3A_1030 : vector<1x1xi32> to vector<32x1xi32>
    %select_n3A_1032 = arith.select %eq3A_1029, %broadcast_in_dim3A_1031, %select_n3A_998 : vector<32x1xi1>, vector<32x1xi32>
    %reduce_max3A_1033 = vector.shape_cast %select_n3A_1020 : vector<128x128xf32> to vector<1x128x128xf32>
    %reduce_max3A_1034 = arith.constant dense<0xFF800000> : vector<1xf32>
    %reduce_max3A_1035 = vector.multi_reduction <maximumf>, %reduce_max3A_1033, %reduce_max3A_1034 [1, 2] : vector<1x128x128xf32> to vector<1xf32>
    %reduce_max3A_1036 = vector.shape_cast %reduce_max3A_1035 : vector<1xf32> to vector<1x1x1xf32>
    %reduce_max3A_1037 = vector.extract %reduce_max3A_1036[0, 0, 0] : f32 from vector<1x1x1xf32>
    %broadcast_in_dim3A_1038 = vector.broadcast %reduce_max3A_1037 : f32 to vector<1x1xf32>
    %eq3A_1039 = vector.broadcast %broadcast_in_dim3A_1038 : vector<1x1xf32> to vector<128x128xf32>
    %eq3A_1040 = arith.cmpf oeq, %select_n3A_1020, %eq3A_1039 : vector<128x128xf32>
    %jit3A_1041 = arith.constant 1073741824 : i32
    %broadcast_in_dim3A_1042 = vector.broadcast %jit3A_1041 : i32 to vector<128x128xi32>
    %select_n3A_1043 = arith.select %eq3A_1040, %add3A_42, %broadcast_in_dim3A_1042 : vector<128x128xi1>, vector<128x128xi32>
    %reduce_min3A_1044 = vector.shape_cast %select_n3A_1043 : vector<128x128xi32> to vector<1x128x128xi32>
    %reduce_min3A_1045 = arith.constant dense<2147483647> : vector<1xi32>
    %reduce_min3A_1046 = vector.multi_reduction <minsi>, %reduce_min3A_1044, %reduce_min3A_1045 [1, 2] : vector<1x128x128xi32> to vector<1xi32>
    %reduce_min3A_1047 = vector.shape_cast %reduce_min3A_1046 : vector<1xi32> to vector<1x1x1xi32>
    %reduce_min3A_1048 = vector.extract %reduce_min3A_1047[0, 0, 0] : i32 from vector<1x1x1xi32>
    %broadcast_in_dim3A_1049 = vector.broadcast %reduce_min3A_1048 : i32 to vector<1x1xi32>
    %eq3A_1050 = arith.constant 29 : i32
    %eq3A_1051 = vector.broadcast %eq3A_1050 : i32 to vector<1x32xi32>
    %eq3A_1052 = arith.cmpi eq, %iota3A_43, %eq3A_1051 : vector<1x32xi32>
    %broadcast_in_dim3A_1053 = vector.shape_cast %broadcast_in_dim3A_1038 : vector<1x1xf32> to vector<1x1xf32>
    %broadcast_in_dim3A_1054 = vector.broadcast %broadcast_in_dim3A_1053 : vector<1x1xf32> to vector<1x32xf32>
    %select_n3A_1055 = arith.select %eq3A_1052, %broadcast_in_dim3A_1054, %select_n3A_1026 : vector<1x32xi1>, vector<1x32xf32>
    %eq3A_1056 = arith.constant 29 : i32
    %eq3A_1057 = vector.broadcast %eq3A_1056 : i32 to vector<32x1xi32>
    %eq3A_1058 = arith.cmpi eq, %iota3A_44, %eq3A_1057 : vector<32x1xi32>
    %broadcast_in_dim3A_1059 = vector.shape_cast %broadcast_in_dim3A_1049 : vector<1x1xi32> to vector<1x1xi32>
    %broadcast_in_dim3A_1060 = vector.broadcast %broadcast_in_dim3A_1059 : vector<1x1xi32> to vector<32x1xi32>
    %select_n3A_1061 = arith.select %eq3A_1058, %broadcast_in_dim3A_1060, %select_n3A_1032 : vector<32x1xi1>, vector<32x1xi32>
    %swap3A = arith.constant 0 : index
    %swap3A_1062 = arith.constant 0 : index
    %swap3A_1063 = vector.load %arg1[%swap3A, %swap3A_1062] : memref<1x32xf32, #tpu.memory_space<vmem>>, vector<1x32xf32>
    tpu.vector_store %arg1[%swap3A, %swap3A_1062], %select_n3A_1055 {strides = array<i32>} : memref<1x32xf32, #tpu.memory_space<vmem>>, vector<1x32xf32>,
    %iota3A_1064 = tpu.iota {dimensions = array<i32: 1>} : vector<32x768xi32>
    %mul3A_1065 = arith.constant 16384 : i32
    %mul3A_1066 = vector.broadcast %mul3A_1065 : i32 to vector<32x768xi32>
    %mul3A_1067 = arith.muli %iota3A_1064, %mul3A_1066 : vector<32x768xi32>
    %add3A_1068 = vector.broadcast %select_n3A_1061 : vector<32x1xi32> to vector<32x768xi32>
    %add3A_1069 = arith.addi %add3A_1068, %mul3A_1067 : vector<32x768xi32>
    %slice3A_1070 = vector.extract_strided_slice %add3A_1069 {offsets = [0, 0], sizes = [30, 768], strides = [1, 1]} : vector<32x768xi32> to vector<30x768xi32>
    %swap3A_1071 = arith.constant 0 : index
    %swap3A_1072 = arith.constant 0 : index
    %swap3A_1073 = vector.load %arg2[%swap3A_1071, %swap3A_1072] : memref<30x768xi32, #tpu.memory_space<vmem>>, vector<30x768xi32>
    tpu.vector_store %arg2[%swap3A_1071, %swap3A_1072], %slice3A_1070 {strides = array<i32>} : memref<30x768xi32, #tpu.memory_space<vmem>>, vector<30x768xi32>,
    return
  }
}

</mosaic_0001>

<sc_bundles>
// kernel: kernel.4.cloned.1.call-start
scs
__scs_entry_jumppad:
0x0: {  	(pc) =	sbr.rel $0x88, $3  }
0x1: {  	(tag) =	ssettag $0x0;
	lr =	simm.s32 $0x1  }
0x2: {  	[smem:$0x3F9F] =	sst lr;
	_ =	strace $0xD0000000  }
0x3: {  	_ = 	snop  }
0x4: {  	_ = 	snop  }
0x5: {  	_ = 	snop  }
0x6: {  	_ = 	snop  }
0x7: {  	_ = 	snop  }
__scs_overlays_trampoline_lowered:
0x8: {  	[smem:$0x3FAE] =	sst s0  }
0x9: {  	[smem:$0x3FAF] =	sst s1  }
0xa: {  	[smem:$0x3FB0] =	sst s2  }
0xb: {  	[smem:$0x3FB1] =	sst s3  }
0xc: {  	[smem:$0x3FB2] =	sst s4  }
0xd: {  	[smem:$0x3FB3] =	sst s5  }
0xe: {  	[smem:$0x3FB4] =	sst s6  }
0xf: {  	[smem:$0x3FB5] =	sst s7  }
0x10: {  	[smem:$0x3FB6] =	sst s8  }
0x11: {  	[smem:$0x3FB7] =	sst s9;
	s0 =	simm.s32 @!p0 $0x0  }
0x12: {  	s1 =	sld [smem:$0x3F9D];
	s0 =	simm.s32 @p0 $0x1  }
0x13: {  	[smem:$0x3FB8] =	sst s0;
	s0 =	simm.s32 @!p1 $0x0  }
0x14: {  	s2 =	sld [smem:$0x3F9C];
	s0 =	simm.s32 @p1 $0x1  }
0x15: {  	[smem:$0x3FB9] =	sst s0;
	s0 =	simm.s32 @!p2 $0x0  }
0x16: {  	s3 =	sld [smem:$0x3FDB];
	s0 =	simm.s32 @p2 $0x1  }
0x17: {  	s4 =	simm.s32 $0x1BF5;
	[smem:$0x3FBB] =	sst s0  }
0x18: {  	s0 =	sld [smem:$0x3F9E];
	_ =	swait.ge [sflag:s4], $0x0  }
0x19: {  	s7 =	sld [smem:$0x3F9F]  }
0x1a: {  	s8 =	sadd.s32 $0xFFFFE003, lr  }
0x1b: {  	s9 =	sadd.s32 $0xFFFFFEF7, lr;
	s5 =	simm.s32 $0xFFFFFFFF;
	p2 =	slt.u32 s8, $0xFFFFF086  }
0x1c: {  	p1 =	slt.u32 s9, $0xF7A;
	s5 =	simm.s32 @!p2 $0x0  }
0x1d: {  	s5 =	simm.s32 @p1 $0x1;
	p0 =	seq.s32 s7, s2  }
0x1e: {  	s7 =	smul.u32 @!p0 $0xF7A, s2;
	p2 =	seq.s32 @!p0 s5, $0x0  }
0x1f: {  	s9 =	smul.u32 $0xF7A, s1;
	s8 =	simm.s32 @!p0 $0x1BF5;
	p2 =	por !p2, p0  }
0x20: {  	[sflag:s8] =	ssyncset.s32 @!p0 $0xFFFFF086;
	s6 =	sadd.s32 @!p0 s3, s7;
	s7 =	simm.s32 @!p0 $0x108  }
0x21: {  	s3 =	sadd.s32 s3, s9;
	s6 =	sadd.s32 @!p0 $0x88, s6;
	s7 =	simm.s32 @p2 $0x1082  }
0x22: {  	[simem:s7], [sflag:s8] =	dma.local @!p0 [hbm:s6], $0xF7A  }
0x23: {  	s9 =	sor.u32 $0xD0000000, s2;
	s6 =	simm.s32 $0x108;
	_ =	swait.ge @!p0 [sflag:s8], $0x0  }
0x24: {  	s3 =	sadd.s32 $0x88, s3;
	s6 =	simm.s32 @!p1 $0x1082;
	[sflag:s4] =	ssyncset.s32 $0xFFFFF086  }
0x25: {  	[simem:s6], [sflag:s4] =	dma.local [hbm:s3], $0xF7A  }
0x26: {  	[smem:$0x3F9F] =	sst s1;
	(tag) =	ssettag s2;
	_ =	strace s9  }
0x27: {  	s1 =	sld [smem:$0x3FAF]  }
0x28: {  	s2 =	sld [smem:$0x3FB0]  }
0x29: {  	s4 =	sld [smem:$0x3FB2]  }
0x2a: {  	p0 =	seq.s32 s5, $0x0;
	s5 =	sld [smem:$0x3FB3]  }
0x2b: {  	s6 =	sld [smem:$0x3FB4]  }
0x2c: {  	s7 =	sld [smem:$0x3FB5]  }
0x2d: {  	s3 =	simm.s32 $0x108;
	s8 =	sld [smem:$0x3FB6]  }
0x2e: {  	s3 =	simm.s32 @!p0 $0x1082;
	s9 =	sld [smem:$0x3FB7]  }
0x2f: {  	lr =	sadd.s32 s0, s3;
	s0 =	sld [smem:$0x3FAE]  }
0x30: {  	s3 =	sld [smem:$0x3FB1]  }
0x31: {  	[smem:$0x3FBA] =	sst s10  }
0x32: {  	s10 =	sld [smem:$0x3FB8];
	_ =	sdelay $0x3  }
0x33: {  	p0 =	seq.s32 s10, $0x1;
	s10 =	sld [smem:$0x3FBA];
	_ =	sdelay $0x3  }
0x34: {  	[smem:$0x3FBA] =	sst s10  }
0x35: {  	s10 =	sld [smem:$0x3FB9];
	_ =	sdelay $0x3  }
0x36: {  	p1 =	seq.s32 s10, $0x1;
	s10 =	sld [smem:$0x3FBA];
	_ =	sdelay $0x3  }
0x37: {  	[smem:$0x3FBA] =	sst s10  }
0x38: {  	s10 =	sld [smem:$0x3FBB]  }
0x39: {  	_ = 	snop;
	(pc) =	sbr.ind lr, $3  }
0x3a: {  	_ = 	snop  }
0x3b: {  	_ = 	snop  }
0x3c: {  	p2 =	seq.s32 s10, $0x1;
	s10 =	sld [smem:$0x3FBA]  }
0x3d: {  	_ =	shalt  }
0x3e: {  	_ =	shalt  }
0x3f: {  	_ =	shalt  }
0x40: {  	_ =	shalt  }
0x41: {  	_ =	shalt  }
0x42: {  	_ =	shalt  }
0x43: {  	_ =	shalt  }
0x44: {  	_ =	shalt  }
0x45: {  	_ =	shalt  }
0x46: {  	_ =	shalt  }
0x47: {  	_ =	shalt  }
0x48: {  	_ =	shalt  }
0x49: {  	_ =	shalt  }
0x4a: {  	_ =	shalt  }
0x4b: {  	_ =	shalt  }
0x4c: {  	_ =	shalt  }
0x4d: {  	_ =	shalt  }
0x4e: {  	_ =	shalt  }
0x4f: {  	_ =	shalt  }
0x50: {  	_ =	shalt  }
0x51: {  	_ =	shalt  }
0x52: {  	_ =	shalt  }
0x53: {  	_ =	shalt  }
0x54: {  	_ =	shalt  }
0x55: {  	_ =	shalt  }
0x56: {  	_ =	shalt  }
0x57: {  	_ =	shalt  }
0x58: {  	_ =	shalt  }
0x59: {  	_ =	shalt  }
0x5a: {  	_ =	shalt  }
0x5b: {  	_ =	shalt  }
0x5c: {  	_ =	shalt  }
0x5d: {  	_ =	shalt  }
0x5e: {  	_ =	shalt  }
0x5f: {  	_ =	shalt  }
0x60: {  	_ =	shalt  }
0x61: {  	_ =	shalt  }
0x62: {  	_ =	shalt  }
0x63: {  	_ =	shalt  }
0x64: {  	_ =	shalt  }
0x65: {  	_ =	shalt  }
0x66: {  	_ =	shalt  }
0x67: {  	_ =	shalt  }
0x68: {  	_ =	shalt  }
0x69: {  	_ =	shalt  }
0x6a: {  	_ =	shalt  }
0x6b: {  	_ =	shalt  }
0x6c: {  	_ =	shalt  }
0x6d: {  	_ =	shalt  }
0x6e: {  	_ =	shalt  }
0x6f: {  	_ =	shalt  }
0x70: {  	_ =	shalt  }
0x71: {  	_ =	shalt  }
0x72: {  	_ =	shalt  }
0x73: {  	_ =	shalt  }
0x74: {  	_ =	shalt  }
0x75: {  	_ =	shalt  }
0x76: {  	_ =	shalt  }
0x77: {  	_ =	shalt  }
0x78: {  	_ =	shalt  }
0x79: {  	_ =	shalt  }
0x7a: {  	_ =	shalt  }
0x7b: {  	_ =	shalt  }
0x7c: {  	_ =	shalt  }
0x7d: {  	_ =	shalt  }
0x7e: {  	_ =	shalt  }
0x7f: {  	_ =	shalt  }
0x80: {  	_ =	shalt  }
0x81: {  	_ =	shalt  }
0x82: {  	_ =	shalt  }
0x83: {  	_ =	shalt  }
0x84: {  	_ =	shalt  }
0x85: {  	_ =	shalt  }
0x86: {  	_ =	shalt  }
0x87: {  	_ =	shalt  }
.Lfunc_end0:
.L_simem_size_0:
called_computation_lowered:
.L_overlay_start_0:
0x88: {  	s2 =	sld [smem:$0x3FD9]  }
0x89: {  	s3 =	sld [smem:$0x3FFE];
	_ =	sdelay $0x1  }
0x8a: {  	s1 =	srdreg.scid  }
0x8b: {  	s0 =	sand.u32 $0x1, s1  }
0x8c: {  	s14 =	sshll.u32 s0, $0xA;
	s2 =	sadd.s32 s3, s2  }
0x8d: {  	s2 =	sadd.s32 s2, s14  }
0x8e: {  	[smem:$0x3FC6] =	sst s2  }
0x8f: {  	_ = 	snop  }
0x90: {  	s2 =	sld [smem:$0x3FD0];
	_ =	sdelay $0x2  }
0x91: {  	s4 =	simm.s32 $0xA;
	s5 =	simm.s32 $0x10;
	s15 =	sld [smem:$0x3FC9]  }
0x92: {  	[smem:s5], [sflag:s4] =	dma.local [hbm:s2], $0x1  }
0x93: {  	_ =	swait.eq [sflag:s4], $0x1  }
0x94: {  	[sflag:s4] =	ssyncset.done $0x0  }
0x95: {  	[sflag:s4] =	ssyncadd.s32 $0xFFFFFFFF  }
0x96: {  	s16 =	sld [smem:$0x11];
	(tm) =	ssettm $0x1  }
0x97: {  	s17 =	sld [smem:$0x3FFB];
	_ =	sdelay $0x3  }
0x98: {  	_ =	strace s17  }
0x99: {  	s4 =	sld [smem:$0x3FFC];
	_ =	sdelay $0x3  }
0x9a: {  	_ =	strace s4  }
0x9b: {  	s4 =	sld [smem:$0x3FFD];
	_ =	sdelay $0x3  }
0x9c: {  	_ =	strace s4  }
0x9d: {  	_ =	strace $0x8FFFFFFF  }
0x9e: {  	s18 =	sld [smem:$0x3FDB];
	_ =	sdelay $0x1  }
0x9f: {  	s19 =	simm.s32 $_scs_section_size  }
0xa0: {  	s6 =	simm.s32 $_size__tile_overlayer_lowered;
	s7 =	simm.s32 $_tile_overlayer_lowered  }
0xa1: {  	s22 =	simm.s32 $0x1BFF;
	s21 =	sshll.u32 s7, $0x1;
	s4 =	sadd.s32 s19, s18  }
0xa2: {  	s8 =	simm.s32 $0x0;
	s20 =	sshll.u32 s6, $0x1;
	s6 =	sadd.s32 s21, s4  }
0xa3: {  	[timem:s8], [sflag:s22] =	dma.local [hbm:s6], s20  }
0xa4: {  	_ =	swait.ge [sflag:s22], s20  }
0xa5: {  	s5 =	ssub.s32 $0x0, s20;
	[sflag:s22] =	ssyncset.done $0x0  }
0xa6: {  	[sflag:s22] =	ssyncadd.s32 s5;
	_ =	sdelay $0x1  }
0xa7: {  	s23 =	simm.s32 $0x1B8B  }
0xa8: {  	_ =	swait.ge [sflag:s23], $0x1  }
0xa9: {  	[sflag:s23] =	ssyncset.done $0x0  }
0xaa: {  	s25 =	simm.s32 $0x1B8E;
	s24 =	sld [smem:$0x3FFE];
	[sflag:s23] =	ssyncadd.s32 $0xFFFFFFFF  }
0xab: {  	s26 =	simm.s32 $execute0_lowered;
	[smem:$0x3FD2] =	sst s25  }
0xac: {  	s6 =	sshll.u32 s26, $0x1;
	_ =	strace $0x80000046;
	[dreg:$0x1] =	wrdreg $0xFFFFFFFF  }
0xad: {  	s28 =	simm.s32 $_size_execute0_lowered;
	s4 =	sadd.s32 s4, s6;
	[dreg:$0x0] =	wrdreg $0x0  }
0xae: {  	s6 =	sshll.u32 s28, $0x1;
	[dreg:$0x2] =	wrdreg s4  }
0xaf: {  	[dreg:$0x3] =	wrdreg s6  }
0xb0: {  	[dreg:$0x4] =	wrdreg $0xC0  }
0xb1: {  	_ =	task [dreg:s8], $0x5FFFF  }
0xb2: {  	[dreg:$0x1] =	wrdreg $0xFFFFFFFF  }
0xb3: {  	[dreg:$0x0] =	wrdreg $0x60  }
0xb4: {  	[dreg:$0x2] =	wrdreg s15  }
0xb5: {  	[dreg:$0x3] =	wrdreg s16  }
0xb6: {  	[dreg:$0x4] =	wrdreg s24  }
0xb7: {  	[dreg:$0x5] =	wrdreg $0x9  }
0xb8: {  	_ =	task.clear_ibuf [dreg:s8], $0x6FFFF;
	_ =	strace $0x90000046  }
0xb9: {  	s29 =	simm.s32 $0x9;
	_ =	strace $0x80000048  }
0xba: {  	_ =	swait.ge [sflag:s29], $0x1  }
0xbb: {  	[sflag:s29] =	ssyncadd.s32 $0xFFFFFFFF  }
0xbc: {  	_ =	strace $0x90000048  }
0xbd: {  	_ =	sfence  }
0xbe: {  	s30 =	sld [smem:$0x0];
	_ =	sdelay $0x2  }
0xbf: {  	s31 =	sshll.u32 s1, $0xD;
	s1 =	sshrl.u32 s1, $0x2  }
0xc0: {  	s3 =	sand.u32 $0x4000, s31;
	s1 =	sadd.s32 s1, s30  }
0xc1: {  	s0 =	sor.u32 s3, s0;
	s1 =	sshll.u32 s1, $0x11  }
0xc2: {  	s0 =	sor.u32 s1, s0  }
0xc3: {  	s0 =	sadd.s32 $0x8F2B, s0  }
0xc4: {  	[sflag:s0] =	ssyncadd.remote.s32 $0x1  }
0xc5: {  	_ =	sfence.sel $0xFFFF  }
0xc6: {  	[dreg:$0x0] =	wrdreg $0xFFFFFFFF;
	(pc) =	sbr.abs _section_cstart, $3  }
0xc7: {  	[dreg:$0x1] =	wrdreg $0xFFFFFFFF  }
0xc8: {  	_ =	task.clear_ibuf [dreg:s8], $0x2FFFF;
	_ =	strace $0x9FFFFFFF  }
0xc9: {  	(tm) =	ssettm $0x7FFFFFFF  }
tec
execute0_lowered:
.L_overlay_start_1:
0x0: {  	(tag) =	ssettag $0x1  }
0x1: {  	s1 =	rddreg [dreg:$0x0]  }
0x2: {  	s4 =	rddreg [dreg:$0x1];
	s2 =	srdreg.scid  }
0x3: {  	s0 =	stileid.u32;
	s5 =	rddreg [dreg:$0x2];
	s3 =	simm.s32 $0x0  }
0x4: {  	s9 =	simm.s32 $0x300;
	s10 =	simm.s32 $0x600;
	s11 =	simm.s32 $0x1  }
0x5: {  	s12 =	simm.s32 $0x16E00;
	s6 =	sand.u32 $0x1, s2;
	s7 =	sshll.u32 s0, $0x1  }
0x6: {  	s13 =	simm.s32 $0x0;
	s7 =	sor.u32 s6, s7;
	s6 =	ssub.s32 $0x2, s6  }
0x7: {  	[smem:$0x7FF] =	sst s3;
	s7 =	smul.u32 $0x5A, s7;
	s8 =	sshrl.u32 s6, $0x1  }
0x8: {  	s2 =	rddreg [dreg:$0x3];
	_ =	strace $0x80000047;
	s6 =	ssub.s32 s6, s8  }
0x9: {  	v1 =	vlaneseq.u32;
	s8 =	simm.s32 $0x2D0;
	s5 =	sadd.s32 s7, s5;
	s4 =	sadd.s32 s4, s7  }
0xa: {  	v0 =	vimm.s32 $0x0;
	v1 =	vmul.u32 $0x80, v1;
	s6 =	smax.u32 s6, $0x1;
	s7 =	simm.s32 $0x2;
	s5 =	sadd.s32 $0x600, s5  }
.LBB2_1:
0xb: {  	[tilespmem:s3], [sflag:$0x2] =	stream.linear.gather [hbm4b:s4+s3], $0x2D0, $0x38;
	[tilespmem:$0x17100] =	vst v63  }
0xc: {  	_ =	swait.ge [sflag:s7], $0x2D0  }
0xd: {  	[sflag:s7] =	ssyncset.done $0x0  }
0xe: {  	s14 =	simm.s32 $0x0;
	[sflag:s7] =	ssyncadd.s32 $0xFFFFFD30  }
0xf: {  	v2 =	vld [tilespmem:s14+$0x0];
	_ =	sdelay $0x3  }
0x10: {  	s15 =	simm.s32 $0x40  }
.LBB2_2:
0x11: {  	s16 =	sshra.s32 s15, $0x2;
	p0 =	sne.s32 s15, $0xB00;
	s15 =	sadd.s32 $0x40, s15;
	v3 =	vshra.s32 v2, $0x1F;
	v4 =	vand.u32 $0x7F, v2;
	v5 =	vmov v2  }
.Ltmp0:
0x12: {  	v2 =	vld [tilespmem:s16+$0x0];
	v3 =	vshrl.u32 v3, $0x19;
	vm0 =	vlt.s32 v5, $0x1;
	vm1 =	vne.s32 v4, $0x0;
	(pc) =	sbr.rel @p0 .LBB2_2-.Ltmp0, $4  }
0x13: {  	v3 =	vadd.s32 v3, v5;
	vm0 =	vmand vm0, vm1  }
0x14: {  	v3 =	vshra.s32 v3, $0x7;
	v4 =	vsel vm0, $0xFFFFFFFF, v0  }
0x15: {  	v3 =	vadd.s32 v4, v3  }
0x16: {  	[tilespmem:s14+$0x300] =	vst v3;
	s14 =	smov.u32 s16  }
0x17: {  	v3 =	vshra.s32 v2, $0x1F;
	v4 =	vand.u32 $0x7F, v2  }
0x18: {  	vm0 =	vlt.s32 v2, $0x1;
	v3 =	vshrl.u32 v3, $0x19;
	vm1 =	vne.s32 v4, $0x0  }
0x19: {  	v2 =	vadd.s32 v3, v2;
	vm0 =	vmand vm0, vm1  }
0x1a: {  	v2 =	vshra.s32 v2, $0x7;
	v3 =	vsel vm0, $0xFFFFFFFF, v0  }
0x1b: {  	v2 =	vadd.s32 v3, v2  }
0x1c: {  	[tilespmem:s14+$0x300] =	vst v2  }
0x1d: {  	[tilespmem:s10], [sflag:$0x1] =	stream.indirect.gather [hbm4b:s1+s8], $0x80, s9, s8, $0xb8;
	[tilespmem:$0x17100] =	vst v63  }
0x1e: {  	_ =	swait.ge [sflag:s11], $0x16800  }
0x1f: {  	[sflag:s11] =	ssyncset.done $0x0  }
0x20: {  	s31 =	simm.s32 $0x0;
	[sflag:s11] =	ssyncadd.s32 $0xFFFE9800  }
0x21: {  	v2 =	vld [tilespmem:s31+$0x0];
	_ =	sdelay $0x2  }
0x22: {  	v3 =	vmov s31  }
0x23: {  	v3 =	vshll.u32 v3, $0x7  }
0x24: {  	v3 =	vor.u32 v1, v3;
	v2 =	vand.u32 $0x7F, v2  }
0x25: {  	v2 =	vor.u32 v3, v2;
	_ =	sdelay $0x4  }
0x26: {  	v2 =	vld.idx.msk [tilespmem:v2+s10+$0x0], $0xffff;
	_ =	sdelay $0x3  }
0x27: {  	s14 =	simm.s32 $0x16E00  }
0x28: {  	s15 =	simm.s32 $0x10;
	[tilespmem:s14+$0x0] =	vst v2  }
0x29: {  	s16 =	simm.s32 $0x20;
	s17 =	simm.s32 $0x10;
	v2 =	vld [tilespmem:s15+$0x0]  }
.LBB2_4:
0x2a: {  	p0 =	sne.s32 s16, $0x2C0;
	_ =	sdelay $0x1  }
0x2b: {  	v3 =	vmov s15;
	s15 =	smov.u32 s16  }
0x2c: {  	v3 =	vshll.u32 v3, $0x7  }
0x2d: {  	v3 =	vor.u32 v1, v3;
	v2 =	vand.u32 $0x7F, v2  }
0x2e: {  	v2 =	vor.u32 v3, v2;
	_ =	sdelay $0x4  }
0x2f: {  	v2 =	vld.idx.msk [tilespmem:v2+s10+$0x0], $0xffff;
	_ =	sdelay $0x2  }
.Ltmp1:
0x30: {  	(pc) =	sbr.rel @p0 .LBB2_4-.Ltmp1, $4  }
0x31: {  	_ = 	snop  }
0x32: {  	s14 =	sadd.s32 $0x10, s14  }
0x33: {  	s17 =	sadd.s32 $0x10, s17;
	[tilespmem:s14+$0x0] =	vst v2  }
0x34: {  	s16 =	sadd.s32 $0x10, s16;
	v2 =	vld [tilespmem:s17+$0x0]  }
0x35: {  	_ =	sdelay $0x1  }
0x36: {  	v3 =	vmov s15  }
0x37: {  	v3 =	vshll.u32 v3, $0x7  }
0x38: {  	v3 =	vor.u32 v1, v3;
	v2 =	vand.u32 $0x7F, v2  }
0x39: {  	v2 =	vor.u32 v3, v2;
	_ =	sdelay $0x4  }
0x3a: {  	v2 =	vld.idx.msk [tilespmem:v2+s10+$0x0], $0xffff;
	_ =	sdelay $0x2  }
0x3b: {  	s13 =	sadd.s32 $0x1, s13  }
0x3c: {  	s14 =	sadd.s32 $0x10, s14;
	p0 =	sne.s32 s13, s6  }
.Ltmp2:
0x3d: {  	[tilespmem:s14+$0x0] =	vst v2;
	(pc) =	sbr.rel @p0 .LBB2_1-.Ltmp2, $4  }
0x3e: {  	[hbm4b:s5+s3] =	stream.linear.scatter [tilespmem:s12], [sflag:$0x2], $0x2D0, $0x38;
	[tilespmem:$0x17100] =	vst v63  }
0x3f: {  	_ =	swait.ge [sflag:s7], $0x2D0  }
0x40: {  	[sflag:s7] =	ssyncset.done $0x0  }
0x41: {  	[sflag:s7] =	ssyncadd.s32 $0xFFFFFD30  }
0x42: {  	_ =	sfence.sel $0x180000  }
0x43: {  	[bflag:$0x0] =	sbarrier.arrive $0xFFFF  }
0x44: {  	p0 =	sne.s32 s0, $0x0;
	_ =	strace $0x90000047  }
0x45: {  	s0 =	sadd.s32 @!p0 $0x100000, s2;
	[bflag:$0x2] =	sbarrier.arrive $0xFFFF  }
0x46: {  	[sflag:s0] =	ssyncadd.tile.s32 @!p0 $0x1;
	_ =	shalt  }
.Lfunc_end2:
_tile_overlayer_lowered:
.L_overlay_start_2:
0x47: {  	(tag) =	ssettag $0x2  }
0x48: {  	s0 =	rddreg [dreg:$0x0];
	s2 =	stileid.u32  }
0x49: {  	s1 =	rddreg [dreg:$0x1];
	p0 =	sne.s32 s2, $0x0  }
0x4a: {  	s3 =	rddreg [dreg:$0x2];
	[bflag:$0x3] =	sbarrier.arrive $0xFFFF;
	s2 =	simm.s32 @!p0 $0x1C02  }
0x4b: {  	[timem:s3], [sflag:s2] =	dma.local @!p0 [hbm:s0], s1  }
0x4c: {  	s0 =	simm.s32 @!p0 $0x2  }
0x4d: {  	_ =	swait.ge @!p0 [sflag:s0], s1  }
0x4e: {  	s1 =	ssub.s32 @!p0 $0x0, s1;
	[sflag:s0] =	ssyncset.done @!p0 $0x0  }
0x4f: {  	[sflag:s0] =	ssyncadd.s32 @!p0 s1  }
0x50: {  	[bflag:$0x3] =	sbarrier.arrive $0xFFFF  }
0x51: {  	_ =	shalt  }

</sc_bundles>
